<compile_context>
chip_gen: v7x
topology: tpu7x:2x2x1
jax: 0.10.2.dev20260603
libtpu: 0.0.44.dev20260713+nightly
codegen_flags: <defaults>
</compile_context>

<pallas_src>
import functools

import jax
import jax.numpy as jnp
import numpy as np
from jax import lax
from jax.experimental import pallas as pl
from jax.experimental.pallas import tpu as pltpu
from jax.experimental.pallas import tpu_sc as plsc

_B = 16384
_L = 200
_V = 21
_E = 128

_SPLIT = 8192

_NC = 2
_NS = 16
_NW = _NC * _NS
_RW = _SPLIT // _NW
_STRIDE = 128
_CR = 128
_NCHUNK = _RW // _CR
_CW = _CR * _L
_GPC = _CR // 16
_UNROLL = 8


def _pe_mean() -> np.ndarray:
    pos = np.arange(_L, dtype=np.float32)
    ang = (2.0 * np.pi * pos / float(_L)).astype(np.float32)
    freqs = np.arange(1, _E // 2 + 1, dtype=np.float32)
    phase = ang[:, None] * freqs[None, :]
    pe = np.concatenate([np.sin(phase), np.cos(phase)], axis=-1)
    return pe.mean(axis=0).astype(np.float32)


_PE_MEAN = _pe_mean()

_sc_mesh = plsc.VectorSubcoreMesh(
    core_axis_name="c", subcore_axis_name="s",
    num_cores=_NC, num_subcores=_NS)


@functools.partial(
    pl.kernel,
    out_type=jax.ShapeDtypeStruct((_SPLIT * _STRIDE,), jnp.float32),
    mesh=_sc_mesh,
    scratch_types=[
        pltpu.VMEM((_CR, _L), jnp.int32),
        pltpu.VMEM((_CR, _L), jnp.int32),
        pltpu.VMEM((_RW * _STRIDE,), jnp.float32),
        pltpu.SemaphoreType.DMA,
        pltpu.SemaphoreType.DMA,
    ],
    compiler_params=pltpu.CompilerParams(needs_layout_passes=False, use_tc_tiling_on_sc=True),
)
def _sc_hist(traj_hbm, counts_hbm, bufa, bufb, counts_v, sema, semb):
    c = lax.axis_index("c")
    s = lax.axis_index("s")
    wid = s * _NC + c
    row0 = _BTC + wid * _RW
    lane = lax.iota(jnp.int32, 16)
    ones = jnp.full((16,), 1.0, jnp.float32)
    zeros = jnp.zeros((16,), jnp.float32)

    bufs = (bufa, bufb)
    sems = (sema, semb)

    def chunk_src(ci):
        return traj_hbm.at[pl.ds(row0 + ci * _CR, _CR), :]

    pltpu.async_copy(chunk_src(0), bufs[0], sems[0])

    @plsc.parallel_loop(0, _RW * _STRIDE, step=16, unroll=8)
    def _zero(i):
        counts_v[pl.ds(i, 16)] = zeros

    for ci in range(_NCHUNK):
        buf = bufs[ci % 2]
        pltpu.make_async_copy(chunk_src(ci), buf, sems[ci % 2]).wait()
        if ci + 1 < _NCHUNK:
            pltpu.async_copy(chunk_src(ci + 1), bufs[(ci + 1) % 2],
                             sems[(ci + 1) % 2])
        for g in range(_GPC):
            rowbase = (ci * _CR + g * 16 + lane) * _STRIDE
            rowv = g * 16 + lane
            col0 = jnp.zeros((16,), jnp.int32)

            @plsc.parallel_loop(0, _L, unroll=_UNROLL, carry=col0)
            def _hist(l, colv):
                tok = plsc.load_gather(buf, [rowv, colv])
                plsc.addupdate_scatter(counts_v, [rowbase + tok], ones)
                return colv + 1

    pltpu.sync_copy(
        counts_v,
        counts_hbm.at[pl.ds((row0 - _BTC) * _STRIDE, _RW * _STRIDE)])


_BR1 = 512
_BTC = _B - _SPLIT


def _tc_hist_mm_body(tr_ref, tab_ref, pe_ref, out_ref):
    t = tr_ref[...]
    cols = []
    for v in range(_V):
        m = (t == v).astype(jnp.float32)
        cols.append(jnp.sum(m, axis=1, keepdims=True))
    counts = jnp.concatenate(cols, axis=1)
    acc = lax.dot_general(
        counts, tab_ref[...], (((1,), (0,)), ((), ())),
        preferred_element_type=jnp.float32)
    out_ref[...] = acc * (1.0 / _L) + pe_ref[0:1, :]


_BR2 = 1024


def _mm_body(cnt_ref, tab_ref, pe_ref, outbuf_ref, out_ref):
    acc = lax.dot_general(
        cnt_ref[...], tab_ref[...], (((1,), (0,)), ((), ())),
        preferred_element_type=jnp.float32)
    out_ref[...] = acc * (1.0 / _L) + pe_ref[0:1, :]


@jax.jit
def kernel(trajs, table):
    trajs = trajs.astype(jnp.int32)
    pe = jnp.broadcast_to(jnp.asarray(_PE_MEAN)[None, :], (8, _E))

    counts = _sc_hist(trajs).reshape(_SPLIT, _STRIDE)

    out_tc = pl.pallas_call(
        _tc_hist_mm_body,
        grid=(_BTC // _BR1,),
        in_specs=[
            pl.BlockSpec((_BR1, _L), lambda i: (i, 0)),
            pl.BlockSpec((_V, _E), lambda i: (0, 0)),
            pl.BlockSpec((8, _E), lambda i: (0, 0)),
        ],
        out_specs=pl.BlockSpec((_BR1, _E), lambda i: (i, 0)),
        out_shape=jax.ShapeDtypeStruct((_B, _E), jnp.float32),
    )(trajs, table, pe)

    tab_pad = jnp.zeros((_STRIDE, _E), jnp.float32).at[:_V].set(table)
    return pl.pallas_call(
        _mm_body,
        grid=(_SPLIT // _BR2,),
        in_specs=[
            pl.BlockSpec((_BR2, _STRIDE), lambda i: (i, 0)),
            pl.BlockSpec((_STRIDE, _E), lambda i: (0, 0)),
            pl.BlockSpec((8, _E), lambda i: (0, 0)),
            pl.BlockSpec(memory_space=pl.ANY),
        ],
        out_specs=pl.BlockSpec((_BR2, _E), lambda i: (i + _BTC // _BR2, 0)),
        out_shape=jax.ShapeDtypeStruct((_B, _E), jnp.float32),
        input_output_aliases={3: 0},
    )(counts, tab_pad, pe, out_tc)

# --- scband reference (transcript-rebuilt; emitter-appended) ---
"""Pipeline reference for scband-circular-encoder-31430570672579 (READ-ONLY COPY).

The authoritative reference and input builder live on the scoring server;
editing this copy changes nothing except your own understanding.
"""

import jax, jax.numpy as jnp
import numpy as np

NUM_EMBEDDINGS = 21
EMBEDDING_DIM = 128
BATCH = 16384
SEQ_LEN = 200


def setup_inputs(seed: int = 0) -> dict:
    key = jax.random.key(seed)
    k1, k2 = jax.random.split(key)
    trajs = jax.random.randint(k1, (BATCH, SEQ_LEN), 0, NUM_EMBEDDINGS)
    table = jax.random.normal(k2, (NUM_EMBEDDINGS, EMBEDDING_DIM), dtype=jnp.float32) * 0.02
    return {"trajs": trajs, "table": table}


def _circular_pos_encoding(seq_len: int, dim: int) -> jnp.ndarray:
    # Circular (periodic) positional encoding: angles wrap around 2*pi over the
    # sequence so that position 0 and position L are encoded identically,
    # matching the cyclic-peptide symmetry the CircularEncoder models.
    pos = jnp.arange(seq_len, dtype=jnp.float32)
    angles = 2.0 * jnp.pi * pos / float(seq_len)  # [L]
    half = dim // 2
    freqs = jnp.arange(1, half + 1, dtype=jnp.float32)  # [half]
    phase = angles[:, None] * freqs[None, :]  # [L, half]
    pe = jnp.concatenate([jnp.sin(phase), jnp.cos(phase)], axis=-1)  # [L, dim]
    return pe


def reference(trajs, table):
    # Token embedding lookup (gather): [B, L] -> [B, L, E]
    emb = jnp.take(table, trajs, axis=0)
    pe = _circular_pos_encoding(SEQ_LEN, EMBEDDING_DIM)  # [L, E]
    emb = emb + pe[None, :, :]
    # Pool over the sequence dimension to produce [B, embedding_dim],
    # which feeds SillyModule's Linear(encoder.embedding_dim, 2048) head.
    out = jnp.mean(emb, axis=1)
    return out

if __name__ == "__main__":
    import jax
    _d = setup_inputs()
    print(jax.jit(kernel)(*tuple(_d.values())))

</pallas_src>

<mosaic_0001>
#map = affine_map<(d0, d1) -> (0, 0)>
#map1 = affine_map<(d0, d1) -> (0)>
module attributes {stable_mosaic.version = 14 : i64} {
  func.func @_sc_hist(%arg0: i32, %arg1: i32, %arg2: memref<16384x200xi32, #tpu.memory_space<hbm>>, %arg3: memref<1048576xf32, #tpu.memory_space<hbm>>, %arg4: memref<128x200xi32, #tpu.memory_space<vmem>>, %arg5: memref<128x200xi32, #tpu.memory_space<vmem>>, %arg6: memref<32768xf32, #tpu.memory_space<vmem>>, %arg7: memref<!tpu.dma_semaphore, #tpu.memory_space<semaphore_mem>>, %arg8: memref<!tpu.dma_semaphore, #tpu.memory_space<semaphore_mem>>) attributes {dimension_semantics = [#tpu.dimension_semantics<core_parallel>, #tpu.dimension_semantics<subcore_parallel>], iteration_bounds = array<i64: 2, 16>, scalar_prefetch = 0 : i64, scratch_operands = 5 : i64, tpu.core_type = #tpu.core_type<sc_vector_subcore>, window_params = [{transform_indices = #map}, {transform_indices = #map1}]} {
    %mul3A = arith.constant 2 : i32
    %mul3A_0 = arith.muli %arg1, %mul3A : i32
    %add3A = arith.addi %mul3A_0, %arg0 : i32
    %mul3A_1 = arith.constant 256 : i32
    %mul3A_2 = arith.muli %add3A, %mul3A_1 : i32
    %add3A_3 = arith.constant 8192 : i32
    %add3A_4 = arith.addi %add3A_3, %mul3A_2 : i32
    %iota3A = tpu.iota {dimensions = array<i32: 0>} : vector<16xi32>
    %broadcast_in_dim3A = arith.constant 1.000000e+00 : f32
    %broadcast_in_dim3A_5 = vector.broadcast %broadcast_in_dim3A : f32 to vector<16xf32>
    %broadcast_in_dim3A_6 = arith.constant 0.000000e+00 : f32
    %broadcast_in_dim3A_7 = vector.broadcast %broadcast_in_dim3A_6 : f32 to vector<16xf32>
    %add3A_8 = arith.constant 0 : i32
    %add3A_9 = arith.addi %add3A_4, %add3A_8 : i32
    %dma_start3A = arith.constant 0 : i32
    %dma_start3A_10 = tpu.memref_slice %arg2[%add3A_9, %dma_start3A] : memref<16384x200xi32, #tpu.memory_space<hbm>> -> memref<128x200xi32, #tpu.memory_space<hbm>>
    %dma_start3A_11 = arith.constant 0 : i32
    %dma_start3A_12 = tpu.memref_slice %arg2[%add3A_9, %dma_start3A_11] : memref<16384x200xi32, #tpu.memory_space<hbm>> -> memref<128x200xi32, #tpu.memory_space<hbm>>
    tpu.enqueue_dma source(%dma_start3A_12 : memref<128x200xi32, #tpu.memory_space<hbm>>) target(%arg4 : memref<128x200xi32, #tpu.memory_space<vmem>>) target_semaphore(%arg7 : memref<!tpu.dma_semaphore, #tpu.memory_space<semaphore_mem>>)
    %parallel_loop3A = arith.constant 0 : i32
    %parallel_loop3A_13 = arith.constant 32768 : i32
    %parallel_loop3A_14 = arith.constant 16 : i32
    scf.for %parallel_loop3A_275 = %parallel_loop3A to %parallel_loop3A_13 step %parallel_loop3A_14  : i32 {
      %parallel_loop3A_276 = arith.index_cast %parallel_loop3A_275 : i32 to index
      %parallel_loop3A_277 = tpu.vector_load %arg6[%parallel_loop3A_276] {strides = array<i32>} : memref<32768xf32, #tpu.memory_space<vmem>>, vector<16xf32>,
      tpu.vector_store %arg6[%parallel_loop3A_276], %broadcast_in_dim3A_7 {strides = array<i32>} : memref<32768xf32, #tpu.memory_space<vmem>>, vector<16xf32>,
    } {sc.loop_unroll_factor = 8 : i64, sc.parallel_access}
    %add3A_15 = arith.constant 0 : i32
    %add3A_16 = arith.addi %add3A_4, %add3A_15 : i32
    %dma_wait3A = arith.constant 0 : i32
    %dma_wait3A_17 = tpu.memref_slice %arg2[%add3A_16, %dma_wait3A] : memref<16384x200xi32, #tpu.memory_space<hbm>> -> memref<128x200xi32, #tpu.memory_space<hbm>>
    %dma_wait3A_18 = arith.constant 0 : i32
    %dma_wait3A_19 = tpu.memref_slice %arg2[%add3A_16, %dma_wait3A_18] : memref<16384x200xi32, #tpu.memory_space<hbm>> -> memref<128x200xi32, #tpu.memory_space<hbm>>
    tpu.wait_dma2 semaphore(%arg7 : memref<!tpu.dma_semaphore, #tpu.memory_space<semaphore_mem>>) src(%dma_wait3A_19 : memref<128x200xi32, #tpu.memory_space<hbm>>) dst(%arg4 : memref<128x200xi32, #tpu.memory_space<vmem>>)
    %add3A_20 = arith.constant 128 : i32
    %add3A_21 = arith.addi %add3A_4, %add3A_20 : i32
    %dma_start3A_22 = arith.constant 0 : i32
    %dma_start3A_23 = tpu.memref_slice %arg2[%add3A_21, %dma_start3A_22] : memref<16384x200xi32, #tpu.memory_space<hbm>> -> memref<128x200xi32, #tpu.memory_space<hbm>>
    %dma_start3A_24 = arith.constant 0 : i32
    %dma_start3A_25 = tpu.memref_slice %arg2[%add3A_21, %dma_start3A_24] : memref<16384x200xi32, #tpu.memory_space<hbm>> -> memref<128x200xi32, #tpu.memory_space<hbm>>
    tpu.enqueue_dma source(%dma_start3A_25 : memref<128x200xi32, #tpu.memory_space<hbm>>) target(%arg5 : memref<128x200xi32, #tpu.memory_space<vmem>>) target_semaphore(%arg8 : memref<!tpu.dma_semaphore, #tpu.memory_space<semaphore_mem>>)
    %add3A_26 = arith.constant 0 : i32
    %add3A_27 = vector.broadcast %add3A_26 : i32 to vector<16xi32>
    %add3A_28 = arith.addi %add3A_27, %iota3A : vector<16xi32>
    %mul3A_29 = arith.constant 128 : i32
    %mul3A_30 = vector.broadcast %mul3A_29 : i32 to vector<16xi32>
    %mul3A_31 = arith.muli %add3A_28, %mul3A_30 : vector<16xi32>
    %add3A_32 = arith.constant 0 : i32
    %add3A_33 = vector.broadcast %add3A_32 : i32 to vector<16xi32>
    %add3A_34 = arith.addi %add3A_33, %iota3A : vector<16xi32>
    %broadcast_in_dim3A_35 = arith.constant 0 : i32
    %broadcast_in_dim3A_36 = vector.broadcast %broadcast_in_dim3A_35 : i32 to vector<16xi32>
    %parallel_loop3A_37 = arith.constant 0 : i32
    %parallel_loop3A_38 = arith.constant 200 : i32
    %parallel_loop3A_39 = arith.constant 1 : i32
    %parallel_loop3A_40 = scf.for %parallel_loop3A_275 = %parallel_loop3A_37 to %parallel_loop3A_38 step %parallel_loop3A_39 iter_args(%parallel_loop3A_276 = %broadcast_in_dim3A_36) -> (vector<16xi32>)  : i32 {
      %parallel_loop3A_277 = tpu.vector_load_idx %arg4[%add3A_34, %parallel_loop3A_276] : memref<128x200xi32, #tpu.memory_space<vmem>>[vector<16xi32>, vector<16xi32>], vector<16xi32>,
      %parallel_loop3A_278 = arith.addi %mul3A_31, %parallel_loop3A_277 : vector<16xi32>
      tpu.vector_store_idx %arg6[%parallel_loop3A_278], %broadcast_in_dim3A_5 {add = true} : memref<32768xf32, #tpu.memory_space<vmem>>[vector<16xi32>], vector<16xf32>,
      %parallel_loop3A_279 = arith.constant 1 : i32
      %parallel_loop3A_280 = vector.broadcast %parallel_loop3A_279 : i32 to vector<16xi32>
      %parallel_loop3A_281 = arith.addi %parallel_loop3A_276, %parallel_loop3A_280 : vector<16xi32>
      scf.yield %parallel_loop3A_281 : vector<16xi32>
    } {sc.loop_unroll_factor = 8 : i64, sc.parallel_access}
    %add3A_41 = arith.constant 16 : i32
    %add3A_42 = vector.broadcast %add3A_41 : i32 to vector<16xi32>
    %add3A_43 = arith.addi %add3A_42, %iota3A : vector<16xi32>
    %mul3A_44 = arith.constant 128 : i32
    %mul3A_45 = vector.broadcast %mul3A_44 : i32 to vector<16xi32>
    %mul3A_46 = arith.muli %add3A_43, %mul3A_45 : vector<16xi32>
    %add3A_47 = arith.constant 16 : i32
    %add3A_48 = vector.broadcast %add3A_47 : i32 to vector<16xi32>
    %add3A_49 = arith.addi %add3A_48, %iota3A : vector<16xi32>
    %broadcast_in_dim3A_50 = arith.constant 0 : i32
    %broadcast_in_dim3A_51 = vector.broadcast %broadcast_in_dim3A_50 : i32 to vector<16xi32>
    %parallel_loop3A_52 = arith.constant 0 : i32
    %parallel_loop3A_53 = arith.constant 200 : i32
    %parallel_loop3A_54 = arith.constant 1 : i32
    %parallel_loop3A_55 = scf.for %parallel_loop3A_275 = %parallel_loop3A_52 to %parallel_loop3A_53 step %parallel_loop3A_54 iter_args(%parallel_loop3A_276 = %broadcast_in_dim3A_51) -> (vector<16xi32>)  : i32 {
      %parallel_loop3A_277 = tpu.vector_load_idx %arg4[%add3A_49, %parallel_loop3A_276] : memref<128x200xi32, #tpu.memory_space<vmem>>[vector<16xi32>, vector<16xi32>], vector<16xi32>,
      %parallel_loop3A_278 = arith.addi %mul3A_46, %parallel_loop3A_277 : vector<16xi32>
      tpu.vector_store_idx %arg6[%parallel_loop3A_278], %broadcast_in_dim3A_5 {add = true} : memref<32768xf32, #tpu.memory_space<vmem>>[vector<16xi32>], vector<16xf32>,
      %parallel_loop3A_279 = arith.constant 1 : i32
      %parallel_loop3A_280 = vector.broadcast %parallel_loop3A_279 : i32 to vector<16xi32>
      %parallel_loop3A_281 = arith.addi %parallel_loop3A_276, %parallel_loop3A_280 : vector<16xi32>
      scf.yield %parallel_loop3A_281 : vector<16xi32>
    } {sc.loop_unroll_factor = 8 : i64, sc.parallel_access}
    %add3A_56 = arith.constant 32 : i32
    %add3A_57 = vector.broadcast %add3A_56 : i32 to vector<16xi32>
    %add3A_58 = arith.addi %add3A_57, %iota3A : vector<16xi32>
    %mul3A_59 = arith.constant 128 : i32
    %mul3A_60 = vector.broadcast %mul3A_59 : i32 to vector<16xi32>
    %mul3A_61 = arith.muli %add3A_58, %mul3A_60 : vector<16xi32>
    %add3A_62 = arith.constant 32 : i32
    %add3A_63 = vector.broadcast %add3A_62 : i32 to vector<16xi32>
    %add3A_64 = arith.addi %add3A_63, %iota3A : vector<16xi32>
    %broadcast_in_dim3A_65 = arith.constant 0 : i32
    %broadcast_in_dim3A_66 = vector.broadcast %broadcast_in_dim3A_65 : i32 to vector<16xi32>
    %parallel_loop3A_67 = arith.constant 0 : i32
    %parallel_loop3A_68 = arith.constant 200 : i32
    %parallel_loop3A_69 = arith.constant 1 : i32
    %parallel_loop3A_70 = scf.for %parallel_loop3A_275 = %parallel_loop3A_67 to %parallel_loop3A_68 step %parallel_loop3A_69 iter_args(%parallel_loop3A_276 = %broadcast_in_dim3A_66) -> (vector<16xi32>)  : i32 {
      %parallel_loop3A_277 = tpu.vector_load_idx %arg4[%add3A_64, %parallel_loop3A_276] : memref<128x200xi32, #tpu.memory_space<vmem>>[vector<16xi32>, vector<16xi32>], vector<16xi32>,
      %parallel_loop3A_278 = arith.addi %mul3A_61, %parallel_loop3A_277 : vector<16xi32>
      tpu.vector_store_idx %arg6[%parallel_loop3A_278], %broadcast_in_dim3A_5 {add = true} : memref<32768xf32, #tpu.memory_space<vmem>>[vector<16xi32>], vector<16xf32>,
      %parallel_loop3A_279 = arith.constant 1 : i32
      %parallel_loop3A_280 = vector.broadcast %parallel_loop3A_279 : i32 to vector<16xi32>
      %parallel_loop3A_281 = arith.addi %parallel_loop3A_276, %parallel_loop3A_280 : vector<16xi32>
      scf.yield %parallel_loop3A_281 : vector<16xi32>
    } {sc.loop_unroll_factor = 8 : i64, sc.parallel_access}
    %add3A_71 = arith.constant 48 : i32
    %add3A_72 = vector.broadcast %add3A_71 : i32 to vector<16xi32>
    %add3A_73 = arith.addi %add3A_72, %iota3A : vector<16xi32>
    %mul3A_74 = arith.constant 128 : i32
    %mul3A_75 = vector.broadcast %mul3A_74 : i32 to vector<16xi32>
    %mul3A_76 = arith.muli %add3A_73, %mul3A_75 : vector<16xi32>
    %add3A_77 = arith.constant 48 : i32
    %add3A_78 = vector.broadcast %add3A_77 : i32 to vector<16xi32>
    %add3A_79 = arith.addi %add3A_78, %iota3A : vector<16xi32>
    %broadcast_in_dim3A_80 = arith.constant 0 : i32
    %broadcast_in_dim3A_81 = vector.broadcast %broadcast_in_dim3A_80 : i32 to vector<16xi32>
    %parallel_loop3A_82 = arith.constant 0 : i32
    %parallel_loop3A_83 = arith.constant 200 : i32
    %parallel_loop3A_84 = arith.constant 1 : i32
    %parallel_loop3A_85 = scf.for %parallel_loop3A_275 = %parallel_loop3A_82 to %parallel_loop3A_83 step %parallel_loop3A_84 iter_args(%parallel_loop3A_276 = %broadcast_in_dim3A_81) -> (vector<16xi32>)  : i32 {
      %parallel_loop3A_277 = tpu.vector_load_idx %arg4[%add3A_79, %parallel_loop3A_276] : memref<128x200xi32, #tpu.memory_space<vmem>>[vector<16xi32>, vector<16xi32>], vector<16xi32>,
      %parallel_loop3A_278 = arith.addi %mul3A_76, %parallel_loop3A_277 : vector<16xi32>
      tpu.vector_store_idx %arg6[%parallel_loop3A_278], %broadcast_in_dim3A_5 {add = true} : memref<32768xf32, #tpu.memory_space<vmem>>[vector<16xi32>], vector<16xf32>,
      %parallel_loop3A_279 = arith.constant 1 : i32
      %parallel_loop3A_280 = vector.broadcast %parallel_loop3A_279 : i32 to vector<16xi32>
      %parallel_loop3A_281 = arith.addi %parallel_loop3A_276, %parallel_loop3A_280 : vector<16xi32>
      scf.yield %parallel_loop3A_281 : vector<16xi32>
    } {sc.loop_unroll_factor = 8 : i64, sc.parallel_access}
    %add3A_86 = arith.constant 64 : i32
    %add3A_87 = vector.broadcast %add3A_86 : i32 to vector<16xi32>
    %add3A_88 = arith.addi %add3A_87, %iota3A : vector<16xi32>
    %mul3A_89 = arith.constant 128 : i32
    %mul3A_90 = vector.broadcast %mul3A_89 : i32 to vector<16xi32>
    %mul3A_91 = arith.muli %add3A_88, %mul3A_90 : vector<16xi32>
    %add3A_92 = arith.constant 64 : i32
    %add3A_93 = vector.broadcast %add3A_92 : i32 to vector<16xi32>
    %add3A_94 = arith.addi %add3A_93, %iota3A : vector<16xi32>
    %broadcast_in_dim3A_95 = arith.constant 0 : i32
    %broadcast_in_dim3A_96 = vector.broadcast %broadcast_in_dim3A_95 : i32 to vector<16xi32>
    %parallel_loop3A_97 = arith.constant 0 : i32
    %parallel_loop3A_98 = arith.constant 200 : i32
    %parallel_loop3A_99 = arith.constant 1 : i32
    %parallel_loop3A_100 = scf.for %parallel_loop3A_275 = %parallel_loop3A_97 to %parallel_loop3A_98 step %parallel_loop3A_99 iter_args(%parallel_loop3A_276 = %broadcast_in_dim3A_96) -> (vector<16xi32>)  : i32 {
      %parallel_loop3A_277 = tpu.vector_load_idx %arg4[%add3A_94, %parallel_loop3A_276] : memref<128x200xi32, #tpu.memory_space<vmem>>[vector<16xi32>, vector<16xi32>], vector<16xi32>,
      %parallel_loop3A_278 = arith.addi %mul3A_91, %parallel_loop3A_277 : vector<16xi32>
      tpu.vector_store_idx %arg6[%parallel_loop3A_278], %broadcast_in_dim3A_5 {add = true} : memref<32768xf32, #tpu.memory_space<vmem>>[vector<16xi32>], vector<16xf32>,
      %parallel_loop3A_279 = arith.constant 1 : i32
      %parallel_loop3A_280 = vector.broadcast %parallel_loop3A_279 : i32 to vector<16xi32>
      %parallel_loop3A_281 = arith.addi %parallel_loop3A_276, %parallel_loop3A_280 : vector<16xi32>
      scf.yield %parallel_loop3A_281 : vector<16xi32>
    } {sc.loop_unroll_factor = 8 : i64, sc.parallel_access}
    %add3A_101 = arith.constant 80 : i32
    %add3A_102 = vector.broadcast %add3A_101 : i32 to vector<16xi32>
    %add3A_103 = arith.addi %add3A_102, %iota3A : vector<16xi32>
    %mul3A_104 = arith.constant 128 : i32
    %mul3A_105 = vector.broadcast %mul3A_104 : i32 to vector<16xi32>
    %mul3A_106 = arith.muli %add3A_103, %mul3A_105 : vector<16xi32>
    %add3A_107 = arith.constant 80 : i32
    %add3A_108 = vector.broadcast %add3A_107 : i32 to vector<16xi32>
    %add3A_109 = arith.addi %add3A_108, %iota3A : vector<16xi32>
    %broadcast_in_dim3A_110 = arith.constant 0 : i32
    %broadcast_in_dim3A_111 = vector.broadcast %broadcast_in_dim3A_110 : i32 to vector<16xi32>
    %parallel_loop3A_112 = arith.constant 0 : i32
    %parallel_loop3A_113 = arith.constant 200 : i32
    %parallel_loop3A_114 = arith.constant 1 : i32
    %parallel_loop3A_115 = scf.for %parallel_loop3A_275 = %parallel_loop3A_112 to %parallel_loop3A_113 step %parallel_loop3A_114 iter_args(%parallel_loop3A_276 = %broadcast_in_dim3A_111) -> (vector<16xi32>)  : i32 {
      %parallel_loop3A_277 = tpu.vector_load_idx %arg4[%add3A_109, %parallel_loop3A_276] : memref<128x200xi32, #tpu.memory_space<vmem>>[vector<16xi32>, vector<16xi32>], vector<16xi32>,
      %parallel_loop3A_278 = arith.addi %mul3A_106, %parallel_loop3A_277 : vector<16xi32>
      tpu.vector_store_idx %arg6[%parallel_loop3A_278], %broadcast_in_dim3A_5 {add = true} : memref<32768xf32, #tpu.memory_space<vmem>>[vector<16xi32>], vector<16xf32>,
      %parallel_loop3A_279 = arith.constant 1 : i32
      %parallel_loop3A_280 = vector.broadcast %parallel_loop3A_279 : i32 to vector<16xi32>
      %parallel_loop3A_281 = arith.addi %parallel_loop3A_276, %parallel_loop3A_280 : vector<16xi32>
      scf.yield %parallel_loop3A_281 : vector<16xi32>
    } {sc.loop_unroll_factor = 8 : i64, sc.parallel_access}
    %add3A_116 = arith.constant 96 : i32
    %add3A_117 = vector.broadcast %add3A_116 : i32 to vector<16xi32>
    %add3A_118 = arith.addi %add3A_117, %iota3A : vector<16xi32>
    %mul3A_119 = arith.constant 128 : i32
    %mul3A_120 = vector.broadcast %mul3A_119 : i32 to vector<16xi32>
    %mul3A_121 = arith.muli %add3A_118, %mul3A_120 : vector<16xi32>
    %add3A_122 = arith.constant 96 : i32
    %add3A_123 = vector.broadcast %add3A_122 : i32 to vector<16xi32>
    %add3A_124 = arith.addi %add3A_123, %iota3A : vector<16xi32>
    %broadcast_in_dim3A_125 = arith.constant 0 : i32
    %broadcast_in_dim3A_126 = vector.broadcast %broadcast_in_dim3A_125 : i32 to vector<16xi32>
    %parallel_loop3A_127 = arith.constant 0 : i32
    %parallel_loop3A_128 = arith.constant 200 : i32
    %parallel_loop3A_129 = arith.constant 1 : i32
    %parallel_loop3A_130 = scf.for %parallel_loop3A_275 = %parallel_loop3A_127 to %parallel_loop3A_128 step %parallel_loop3A_129 iter_args(%parallel_loop3A_276 = %broadcast_in_dim3A_126) -> (vector<16xi32>)  : i32 {
      %parallel_loop3A_277 = tpu.vector_load_idx %arg4[%add3A_124, %parallel_loop3A_276] : memref<128x200xi32, #tpu.memory_space<vmem>>[vector<16xi32>, vector<16xi32>], vector<16xi32>,
      %parallel_loop3A_278 = arith.addi %mul3A_121, %parallel_loop3A_277 : vector<16xi32>
      tpu.vector_store_idx %arg6[%parallel_loop3A_278], %broadcast_in_dim3A_5 {add = true} : memref<32768xf32, #tpu.memory_space<vmem>>[vector<16xi32>], vector<16xf32>,
      %parallel_loop3A_279 = arith.constant 1 : i32
      %parallel_loop3A_280 = vector.broadcast %parallel_loop3A_279 : i32 to vector<16xi32>
      %parallel_loop3A_281 = arith.addi %parallel_loop3A_276, %parallel_loop3A_280 : vector<16xi32>
      scf.yield %parallel_loop3A_281 : vector<16xi32>
    } {sc.loop_unroll_factor = 8 : i64, sc.parallel_access}
    %add3A_131 = arith.constant 112 : i32
    %add3A_132 = vector.broadcast %add3A_131 : i32 to vector<16xi32>
    %add3A_133 = arith.addi %add3A_132, %iota3A : vector<16xi32>
    %mul3A_134 = arith.constant 128 : i32
    %mul3A_135 = vector.broadcast %mul3A_134 : i32 to vector<16xi32>
    %mul3A_136 = arith.muli %add3A_133, %mul3A_135 : vector<16xi32>
    %add3A_137 = arith.constant 112 : i32
    %add3A_138 = vector.broadcast %add3A_137 : i32 to vector<16xi32>
    %add3A_139 = arith.addi %add3A_138, %iota3A : vector<16xi32>
    %broadcast_in_dim3A_140 = arith.constant 0 : i32
    %broadcast_in_dim3A_141 = vector.broadcast %broadcast_in_dim3A_140 : i32 to vector<16xi32>
    %parallel_loop3A_142 = arith.constant 0 : i32
    %parallel_loop3A_143 = arith.constant 200 : i32
    %parallel_loop3A_144 = arith.constant 1 : i32
    %parallel_loop3A_145 = scf.for %parallel_loop3A_275 = %parallel_loop3A_142 to %parallel_loop3A_143 step %parallel_loop3A_144 iter_args(%parallel_loop3A_276 = %broadcast_in_dim3A_141) -> (vector<16xi32>)  : i32 {
      %parallel_loop3A_277 = tpu.vector_load_idx %arg4[%add3A_139, %parallel_loop3A_276] : memref<128x200xi32, #tpu.memory_space<vmem>>[vector<16xi32>, vector<16xi32>], vector<16xi32>,
      %parallel_loop3A_278 = arith.addi %mul3A_136, %parallel_loop3A_277 : vector<16xi32>
      tpu.vector_store_idx %arg6[%parallel_loop3A_278], %broadcast_in_dim3A_5 {add = true} : memref<32768xf32, #tpu.memory_space<vmem>>[vector<16xi32>], vector<16xf32>,
      %parallel_loop3A_279 = arith.constant 1 : i32
      %parallel_loop3A_280 = vector.broadcast %parallel_loop3A_279 : i32 to vector<16xi32>
      %parallel_loop3A_281 = arith.addi %parallel_loop3A_276, %parallel_loop3A_280 : vector<16xi32>
      scf.yield %parallel_loop3A_281 : vector<16xi32>
    } {sc.loop_unroll_factor = 8 : i64, sc.parallel_access}
    %add3A_146 = arith.constant 128 : i32
    %add3A_147 = arith.addi %add3A_4, %add3A_146 : i32
    %dma_wait3A_148 = arith.constant 0 : i32
    %dma_wait3A_149 = tpu.memref_slice %arg2[%add3A_147, %dma_wait3A_148] : memref<16384x200xi32, #tpu.memory_space<hbm>> -> memref<128x200xi32, #tpu.memory_space<hbm>>
    %dma_wait3A_150 = arith.constant 0 : i32
    %dma_wait3A_151 = tpu.memref_slice %arg2[%add3A_147, %dma_wait3A_150] : memref<16384x200xi32, #tpu.memory_space<hbm>> -> memref<128x200xi32, #tpu.memory_space<hbm>>
    tpu.wait_dma2 semaphore(%arg8 : memref<!tpu.dma_semaphore, #tpu.memory_space<semaphore_mem>>) src(%dma_wait3A_151 : memref<128x200xi32, #tpu.memory_space<hbm>>) dst(%arg5 : memref<128x200xi32, #tpu.memory_space<vmem>>)
    %add3A_152 = arith.constant 128 : i32
    %add3A_153 = vector.broadcast %add3A_152 : i32 to vector<16xi32>
    %add3A_154 = arith.addi %add3A_153, %iota3A : vector<16xi32>
    %mul3A_155 = arith.constant 128 : i32
    %mul3A_156 = vector.broadcast %mul3A_155 : i32 to vector<16xi32>
    %mul3A_157 = arith.muli %add3A_154, %mul3A_156 : vector<16xi32>
    %add3A_158 = arith.constant 0 : i32
    %add3A_159 = vector.broadcast %add3A_158 : i32 to vector<16xi32>
    %add3A_160 = arith.addi %add3A_159, %iota3A : vector<16xi32>
    %broadcast_in_dim3A_161 = arith.constant 0 : i32
    %broadcast_in_dim3A_162 = vector.broadcast %broadcast_in_dim3A_161 : i32 to vector<16xi32>
    %parallel_loop3A_163 = arith.constant 0 : i32
    %parallel_loop3A_164 = arith.constant 200 : i32
    %parallel_loop3A_165 = arith.constant 1 : i32
    %parallel_loop3A_166 = scf.for %parallel_loop3A_275 = %parallel_loop3A_163 to %parallel_loop3A_164 step %parallel_loop3A_165 iter_args(%parallel_loop3A_276 = %broadcast_in_dim3A_162) -> (vector<16xi32>)  : i32 {
      %parallel_loop3A_277 = tpu.vector_load_idx %arg5[%add3A_160, %parallel_loop3A_276] : memref<128x200xi32, #tpu.memory_space<vmem>>[vector<16xi32>, vector<16xi32>], vector<16xi32>,
      %parallel_loop3A_278 = arith.addi %mul3A_157, %parallel_loop3A_277 : vector<16xi32>
      tpu.vector_store_idx %arg6[%parallel_loop3A_278], %broadcast_in_dim3A_5 {add = true} : memref<32768xf32, #tpu.memory_space<vmem>>[vector<16xi32>], vector<16xf32>,
      %parallel_loop3A_279 = arith.constant 1 : i32
      %parallel_loop3A_280 = vector.broadcast %parallel_loop3A_279 : i32 to vector<16xi32>
      %parallel_loop3A_281 = arith.addi %parallel_loop3A_276, %parallel_loop3A_280 : vector<16xi32>
      scf.yield %parallel_loop3A_281 : vector<16xi32>
    } {sc.loop_unroll_factor = 8 : i64, sc.parallel_access}
    %add3A_167 = arith.constant 144 : i32
    %add3A_168 = vector.broadcast %add3A_167 : i32 to vector<16xi32>
    %add3A_169 = arith.addi %add3A_168, %iota3A : vector<16xi32>
    %mul3A_170 = arith.constant 128 : i32
    %mul3A_171 = vector.broadcast %mul3A_170 : i32 to vector<16xi32>
    %mul3A_172 = arith.muli %add3A_169, %mul3A_171 : vector<16xi32>
    %add3A_173 = arith.constant 16 : i32
    %add3A_174 = vector.broadcast %add3A_173 : i32 to vector<16xi32>
    %add3A_175 = arith.addi %add3A_174, %iota3A : vector<16xi32>
    %broadcast_in_dim3A_176 = arith.constant 0 : i32
    %broadcast_in_dim3A_177 = vector.broadcast %broadcast_in_dim3A_176 : i32 to vector<16xi32>
    %parallel_loop3A_178 = arith.constant 0 : i32
    %parallel_loop3A_179 = arith.constant 200 : i32
    %parallel_loop3A_180 = arith.constant 1 : i32
    %parallel_loop3A_181 = scf.for %parallel_loop3A_275 = %parallel_loop3A_178 to %parallel_loop3A_179 step %parallel_loop3A_180 iter_args(%parallel_loop3A_276 = %broadcast_in_dim3A_177) -> (vector<16xi32>)  : i32 {
      %parallel_loop3A_277 = tpu.vector_load_idx %arg5[%add3A_175, %parallel_loop3A_276] : memref<128x200xi32, #tpu.memory_space<vmem>>[vector<16xi32>, vector<16xi32>], vector<16xi32>,
      %parallel_loop3A_278 = arith.addi %mul3A_172, %parallel_loop3A_277 : vector<16xi32>
      tpu.vector_store_idx %arg6[%parallel_loop3A_278], %broadcast_in_dim3A_5 {add = true} : memref<32768xf32, #tpu.memory_space<vmem>>[vector<16xi32>], vector<16xf32>,
      %parallel_loop3A_279 = arith.constant 1 : i32
      %parallel_loop3A_280 = vector.broadcast %parallel_loop3A_279 : i32 to vector<16xi32>
      %parallel_loop3A_281 = arith.addi %parallel_loop3A_276, %parallel_loop3A_280 : vector<16xi32>
      scf.yield %parallel_loop3A_281 : vector<16xi32>
    } {sc.loop_unroll_factor = 8 : i64, sc.parallel_access}
    %add3A_182 = arith.constant 160 : i32
    %add3A_183 = vector.broadcast %add3A_182 : i32 to vector<16xi32>
    %add3A_184 = arith.addi %add3A_183, %iota3A : vector<16xi32>
    %mul3A_185 = arith.constant 128 : i32
    %mul3A_186 = vector.broadcast %mul3A_185 : i32 to vector<16xi32>
    %mul3A_187 = arith.muli %add3A_184, %mul3A_186 : vector<16xi32>
    %add3A_188 = arith.constant 32 : i32
    %add3A_189 = vector.broadcast %add3A_188 : i32 to vector<16xi32>
    %add3A_190 = arith.addi %add3A_189, %iota3A : vector<16xi32>
    %broadcast_in_dim3A_191 = arith.constant 0 : i32
    %broadcast_in_dim3A_192 = vector.broadcast %broadcast_in_dim3A_191 : i32 to vector<16xi32>
    %parallel_loop3A_193 = arith.constant 0 : i32
    %parallel_loop3A_194 = arith.constant 200 : i32
    %parallel_loop3A_195 = arith.constant 1 : i32
    %parallel_loop3A_196 = scf.for %parallel_loop3A_275 = %parallel_loop3A_193 to %parallel_loop3A_194 step %parallel_loop3A_195 iter_args(%parallel_loop3A_276 = %broadcast_in_dim3A_192) -> (vector<16xi32>)  : i32 {
      %parallel_loop3A_277 = tpu.vector_load_idx %arg5[%add3A_190, %parallel_loop3A_276] : memref<128x200xi32, #tpu.memory_space<vmem>>[vector<16xi32>, vector<16xi32>], vector<16xi32>,
      %parallel_loop3A_278 = arith.addi %mul3A_187, %parallel_loop3A_277 : vector<16xi32>
      tpu.vector_store_idx %arg6[%parallel_loop3A_278], %broadcast_in_dim3A_5 {add = true} : memref<32768xf32, #tpu.memory_space<vmem>>[vector<16xi32>], vector<16xf32>,
      %parallel_loop3A_279 = arith.constant 1 : i32
      %parallel_loop3A_280 = vector.broadcast %parallel_loop3A_279 : i32 to vector<16xi32>
      %parallel_loop3A_281 = arith.addi %parallel_loop3A_276, %parallel_loop3A_280 : vector<16xi32>
      scf.yield %parallel_loop3A_281 : vector<16xi32>
    } {sc.loop_unroll_factor = 8 : i64, sc.parallel_access}
    %add3A_197 = arith.constant 176 : i32
    %add3A_198 = vector.broadcast %add3A_197 : i32 to vector<16xi32>
    %add3A_199 = arith.addi %add3A_198, %iota3A : vector<16xi32>
    %mul3A_200 = arith.constant 128 : i32
    %mul3A_201 = vector.broadcast %mul3A_200 : i32 to vector<16xi32>
    %mul3A_202 = arith.muli %add3A_199, %mul3A_201 : vector<16xi32>
    %add3A_203 = arith.constant 48 : i32
    %add3A_204 = vector.broadcast %add3A_203 : i32 to vector<16xi32>
    %add3A_205 = arith.addi %add3A_204, %iota3A : vector<16xi32>
    %broadcast_in_dim3A_206 = arith.constant 0 : i32
    %broadcast_in_dim3A_207 = vector.broadcast %broadcast_in_dim3A_206 : i32 to vector<16xi32>
    %parallel_loop3A_208 = arith.constant 0 : i32
    %parallel_loop3A_209 = arith.constant 200 : i32
    %parallel_loop3A_210 = arith.constant 1 : i32
    %parallel_loop3A_211 = scf.for %parallel_loop3A_275 = %parallel_loop3A_208 to %parallel_loop3A_209 step %parallel_loop3A_210 iter_args(%parallel_loop3A_276 = %broadcast_in_dim3A_207) -> (vector<16xi32>)  : i32 {
      %parallel_loop3A_277 = tpu.vector_load_idx %arg5[%add3A_205, %parallel_loop3A_276] : memref<128x200xi32, #tpu.memory_space<vmem>>[vector<16xi32>, vector<16xi32>], vector<16xi32>,
      %parallel_loop3A_278 = arith.addi %mul3A_202, %parallel_loop3A_277 : vector<16xi32>
      tpu.vector_store_idx %arg6[%parallel_loop3A_278], %broadcast_in_dim3A_5 {add = true} : memref<32768xf32, #tpu.memory_space<vmem>>[vector<16xi32>], vector<16xf32>,
      %parallel_loop3A_279 = arith.constant 1 : i32
      %parallel_loop3A_280 = vector.broadcast %parallel_loop3A_279 : i32 to vector<16xi32>
      %parallel_loop3A_281 = arith.addi %parallel_loop3A_276, %parallel_loop3A_280 : vector<16xi32>
      scf.yield %parallel_loop3A_281 : vector<16xi32>
    } {sc.loop_unroll_factor = 8 : i64, sc.parallel_access}
    %add3A_212 = arith.constant 192 : i32
    %add3A_213 = vector.broadcast %add3A_212 : i32 to vector<16xi32>
    %add3A_214 = arith.addi %add3A_213, %iota3A : vector<16xi32>
    %mul3A_215 = arith.constant 128 : i32
    %mul3A_216 = vector.broadcast %mul3A_215 : i32 to vector<16xi32>
    %mul3A_217 = arith.muli %add3A_214, %mul3A_216 : vector<16xi32>
    %add3A_218 = arith.constant 64 : i32
    %add3A_219 = vector.broadcast %add3A_218 : i32 to vector<16xi32>
    %add3A_220 = arith.addi %add3A_219, %iota3A : vector<16xi32>
    %broadcast_in_dim3A_221 = arith.constant 0 : i32
    %broadcast_in_dim3A_222 = vector.broadcast %broadcast_in_dim3A_221 : i32 to vector<16xi32>
    %parallel_loop3A_223 = arith.constant 0 : i32
    %parallel_loop3A_224 = arith.constant 200 : i32
    %parallel_loop3A_225 = arith.constant 1 : i32
    %parallel_loop3A_226 = scf.for %parallel_loop3A_275 = %parallel_loop3A_223 to %parallel_loop3A_224 step %parallel_loop3A_225 iter_args(%parallel_loop3A_276 = %broadcast_in_dim3A_222) -> (vector<16xi32>)  : i32 {
      %parallel_loop3A_277 = tpu.vector_load_idx %arg5[%add3A_220, %parallel_loop3A_276] : memref<128x200xi32, #tpu.memory_space<vmem>>[vector<16xi32>, vector<16xi32>], vector<16xi32>,
      %parallel_loop3A_278 = arith.addi %mul3A_217, %parallel_loop3A_277 : vector<16xi32>
      tpu.vector_store_idx %arg6[%parallel_loop3A_278], %broadcast_in_dim3A_5 {add = true} : memref<32768xf32, #tpu.memory_space<vmem>>[vector<16xi32>], vector<16xf32>,
      %parallel_loop3A_279 = arith.constant 1 : i32
      %parallel_loop3A_280 = vector.broadcast %parallel_loop3A_279 : i32 to vector<16xi32>
      %parallel_loop3A_281 = arith.addi %parallel_loop3A_276, %parallel_loop3A_280 : vector<16xi32>
      scf.yield %parallel_loop3A_281 : vector<16xi32>
    } {sc.loop_unroll_factor = 8 : i64, sc.parallel_access}
    %add3A_227 = arith.constant 208 : i32
    %add3A_228 = vector.broadcast %add3A_227 : i32 to vector<16xi32>
    %add3A_229 = arith.addi %add3A_228, %iota3A : vector<16xi32>
    %mul3A_230 = arith.constant 128 : i32
    %mul3A_231 = vector.broadcast %mul3A_230 : i32 to vector<16xi32>
    %mul3A_232 = arith.muli %add3A_229, %mul3A_231 : vector<16xi32>
    %add3A_233 = arith.constant 80 : i32
    %add3A_234 = vector.broadcast %add3A_233 : i32 to vector<16xi32>
    %add3A_235 = arith.addi %add3A_234, %iota3A : vector<16xi32>
    %broadcast_in_dim3A_236 = arith.constant 0 : i32
    %broadcast_in_dim3A_237 = vector.broadcast %broadcast_in_dim3A_236 : i32 to vector<16xi32>
    %parallel_loop3A_238 = arith.constant 0 : i32
    %parallel_loop3A_239 = arith.constant 200 : i32
    %parallel_loop3A_240 = arith.constant 1 : i32
    %parallel_loop3A_241 = scf.for %parallel_loop3A_275 = %parallel_loop3A_238 to %parallel_loop3A_239 step %parallel_loop3A_240 iter_args(%parallel_loop3A_276 = %broadcast_in_dim3A_237) -> (vector<16xi32>)  : i32 {
      %parallel_loop3A_277 = tpu.vector_load_idx %arg5[%add3A_235, %parallel_loop3A_276] : memref<128x200xi32, #tpu.memory_space<vmem>>[vector<16xi32>, vector<16xi32>], vector<16xi32>,
      %parallel_loop3A_278 = arith.addi %mul3A_232, %parallel_loop3A_277 : vector<16xi32>
      tpu.vector_store_idx %arg6[%parallel_loop3A_278], %broadcast_in_dim3A_5 {add = true} : memref<32768xf32, #tpu.memory_space<vmem>>[vector<16xi32>], vector<16xf32>,
      %parallel_loop3A_279 = arith.constant 1 : i32
      %parallel_loop3A_280 = vector.broadcast %parallel_loop3A_279 : i32 to vector<16xi32>
      %parallel_loop3A_281 = arith.addi %parallel_loop3A_276, %parallel_loop3A_280 : vector<16xi32>
      scf.yield %parallel_loop3A_281 : vector<16xi32>
    } {sc.loop_unroll_factor = 8 : i64, sc.parallel_access}
    %add3A_242 = arith.constant 224 : i32
    %add3A_243 = vector.broadcast %add3A_242 : i32 to vector<16xi32>
    %add3A_244 = arith.addi %add3A_243, %iota3A : vector<16xi32>
    %mul3A_245 = arith.constant 128 : i32
    %mul3A_246 = vector.broadcast %mul3A_245 : i32 to vector<16xi32>
    %mul3A_247 = arith.muli %add3A_244, %mul3A_246 : vector<16xi32>
    %add3A_248 = arith.constant 96 : i32
    %add3A_249 = vector.broadcast %add3A_248 : i32 to vector<16xi32>
    %add3A_250 = arith.addi %add3A_249, %iota3A : vector<16xi32>
    %broadcast_in_dim3A_251 = arith.constant 0 : i32
    %broadcast_in_dim3A_252 = vector.broadcast %broadcast_in_dim3A_251 : i32 to vector<16xi32>
    %parallel_loop3A_253 = arith.constant 0 : i32
    %parallel_loop3A_254 = arith.constant 200 : i32
    %parallel_loop3A_255 = arith.constant 1 : i32
    %parallel_loop3A_256 = scf.for %parallel_loop3A_275 = %parallel_loop3A_253 to %parallel_loop3A_254 step %parallel_loop3A_255 iter_args(%parallel_loop3A_276 = %broadcast_in_dim3A_252) -> (vector<16xi32>)  : i32 {
      %parallel_loop3A_277 = tpu.vector_load_idx %arg5[%add3A_250, %parallel_loop3A_276] : memref<128x200xi32, #tpu.memory_space<vmem>>[vector<16xi32>, vector<16xi32>], vector<16xi32>,
      %parallel_loop3A_278 = arith.addi %mul3A_247, %parallel_loop3A_277 : vector<16xi32>
      tpu.vector_store_idx %arg6[%parallel_loop3A_278], %broadcast_in_dim3A_5 {add = true} : memref<32768xf32, #tpu.memory_space<vmem>>[vector<16xi32>], vector<16xf32>,
      %parallel_loop3A_279 = arith.constant 1 : i32
      %parallel_loop3A_280 = vector.broadcast %parallel_loop3A_279 : i32 to vector<16xi32>
      %parallel_loop3A_281 = arith.addi %parallel_loop3A_276, %parallel_loop3A_280 : vector<16xi32>
      scf.yield %parallel_loop3A_281 : vector<16xi32>
    } {sc.loop_unroll_factor = 8 : i64, sc.parallel_access}
    %add3A_257 = arith.constant 240 : i32
    %add3A_258 = vector.broadcast %add3A_257 : i32 to vector<16xi32>
    %add3A_259 = arith.addi %add3A_258, %iota3A : vector<16xi32>
    %mul3A_260 = arith.constant 128 : i32
    %mul3A_261 = vector.broadcast %mul3A_260 : i32 to vector<16xi32>
    %mul3A_262 = arith.muli %add3A_259, %mul3A_261 : vector<16xi32>
    %add3A_263 = arith.constant 112 : i32
    %add3A_264 = vector.broadcast %add3A_263 : i32 to vector<16xi32>
    %add3A_265 = arith.addi %add3A_264, %iota3A : vector<16xi32>
    %broadcast_in_dim3A_266 = arith.constant 0 : i32
    %broadcast_in_dim3A_267 = vector.broadcast %broadcast_in_dim3A_266 : i32 to vector<16xi32>
    %parallel_loop3A_268 = arith.constant 0 : i32
    %parallel_loop3A_269 = arith.constant 200 : i32
    %parallel_loop3A_270 = arith.constant 1 : i32
    %parallel_loop3A_271 = scf.for %parallel_loop3A_275 = %parallel_loop3A_268 to %parallel_loop3A_269 step %parallel_loop3A_270 iter_args(%parallel_loop3A_276 = %broadcast_in_dim3A_267) -> (vector<16xi32>)  : i32 {
      %parallel_loop3A_277 = tpu.vector_load_idx %arg5[%add3A_265, %parallel_loop3A_276] : memref<128x200xi32, #tpu.memory_space<vmem>>[vector<16xi32>, vector<16xi32>], vector<16xi32>,
      %parallel_loop3A_278 = arith.addi %mul3A_262, %parallel_loop3A_277 : vector<16xi32>
      tpu.vector_store_idx %arg6[%parallel_loop3A_278], %broadcast_in_dim3A_5 {add = true} : memref<32768xf32, #tpu.memory_space<vmem>>[vector<16xi32>], vector<16xf32>,
      %parallel_loop3A_279 = arith.constant 1 : i32
      %parallel_loop3A_280 = vector.broadcast %parallel_loop3A_279 : i32 to vector<16xi32>
      %parallel_loop3A_281 = arith.addi %parallel_loop3A_276, %parallel_loop3A_280 : vector<16xi32>
      scf.yield %parallel_loop3A_281 : vector<16xi32>
    } {sc.loop_unroll_factor = 8 : i64, sc.parallel_access}
    %sub3A = arith.constant 8192 : i32
    %sub3A_272 = arith.subi %add3A_4, %sub3A : i32
    %mul3A_273 = arith.constant 128 : i32
    %mul3A_274 = arith.muli %sub3A_272, %mul3A_273 : i32
    "tpu.region"() ({
      %run_scoped3A = tpu.sem_alloc : memref<!tpu.dma_semaphore, #tpu.memory_space<semaphore_mem>>
      %dma_start3A_275 = tpu.memref_slice %arg3[%mul3A_274] : memref<1048576xf32, #tpu.memory_space<hbm>> -> memref<32768xf32, #tpu.memory_space<hbm>>
      %dma_start3A_276 = tpu.memref_slice %arg3[%mul3A_274] : memref<1048576xf32, #tpu.memory_space<hbm>> -> memref<32768xf32, #tpu.memory_space<hbm>>
      tpu.enqueue_dma source(%arg6 : memref<32768xf32, #tpu.memory_space<vmem>>) target(%dma_start3A_276 : memref<32768xf32, #tpu.memory_space<hbm>>) target_semaphore(%run_scoped3A : memref<!tpu.dma_semaphore, #tpu.memory_space<semaphore_mem>>)
      %dma_wait3A_277 = tpu.memref_slice %arg3[%mul3A_274] : memref<1048576xf32, #tpu.memory_space<hbm>> -> memref<32768xf32, #tpu.memory_space<hbm>>
      %dma_wait3A_278 = tpu.memref_slice %arg3[%mul3A_274] : memref<1048576xf32, #tpu.memory_space<hbm>> -> memref<32768xf32, #tpu.memory_space<hbm>>
      tpu.wait_dma2 semaphore(%run_scoped3A : memref<!tpu.dma_semaphore, #tpu.memory_space<semaphore_mem>>) src(%arg6 : memref<32768xf32, #tpu.memory_space<vmem>>) dst(%dma_wait3A_278 : memref<32768xf32, #tpu.memory_space<hbm>>)
      tpu.yield
    }) : () -> ()
    return
  }
}

module attributes {stable_mosaic.version = 14 : i64} {
  func.func @_mm_body(%arg0: i32, %arg1: memref<1024x128xf32, #tpu.memory_space<vmem>>, %arg2: memref<128x128xf32, #tpu.memory_space<vmem>>, %arg3: memref<8x128xf32, #tpu.memory_space<vmem>>, %arg4: memref<16384x128xf32, #tpu.memory_space<any>>, %arg5: memref<1024x128xf32, #tpu.memory_space<vmem>>) attributes {dimension_semantics = [#tpu.dimension_semantics<arbitrary>], iteration_bounds = array<i64: 8>, scalar_prefetch = 0 : i64, scratch_operands = 0 : i64, tpu.core_type = #tpu.core_type<tc>, window_params = [{transform_indices = @transform_0, window_bounds = array<i64: 1024, 128>}, {pipeline_mode = #tpu.pipeline_mode<synchronous>, transform_indices = @transform_1, window_bounds = array<i64: 128, 128>}, {pipeline_mode = #tpu.pipeline_mode<synchronous>, transform_indices = @transform_2, window_bounds = array<i64: 8, 128>}, {}, {transform_indices = @transform_4, window_bounds = array<i64: 1024, 128>}]} {
    %get3A = arith.constant 0 : index
    %get3A_0 = arith.constant 0 : index
    %get3A_1 = vector.load %arg1[%get3A, %get3A_0] : memref<1024x128xf32, #tpu.memory_space<vmem>>, vector<1024x128xf32>
    %get3A_2 = arith.constant 0 : index
    %get3A_3 = arith.constant 0 : index
    %get3A_4 = vector.load %arg2[%get3A_2, %get3A_3] : memref<128x128xf32, #tpu.memory_space<vmem>>, vector<128x128xf32>
    %dot_general3A = arith.constant dense<0.000000e+00> : vector<1024x128xf32>
    %dot_general3A_5 = tpu.matmul %get3A_1, %get3A_4, %dot_general3A {dimension_numbers = #tpu.dot_dimension_numbers<[1], [0], [0], [1], [0, 0, 1, 1], [], []>, transpose_lhs_hint = false} : vector<1024x128xf32>, vector<128x128xf32>, vector<1024x128xf32> -> vector<1024x128xf32>
    %mul3A = arith.constant 5.000000e-03 : f32
    %mul3A_6 = vector.broadcast %mul3A : f32 to vector<1024x128xf32>
    %mul3A_7 = arith.mulf %dot_general3A_5, %mul3A_6 : vector<1024x128xf32>
    %get3A_8 = arith.constant 0 : index
    %get3A_9 = arith.constant 0 : index
    %get3A_10 = vector.load %arg3[%get3A_8, %get3A_9] : memref<8x128xf32, #tpu.memory_space<vmem>>, vector<1x128xf32>
    %add3A = vector.broadcast %get3A_10 : vector<1x128xf32> to vector<1024x128xf32>
    %add3A_11 = arith.addf %mul3A_7, %add3A : vector<1024x128xf32>
    %swap3A = arith.constant 0 : index
    %swap3A_12 = arith.constant 0 : index
    %swap3A_13 = vector.load %arg5[%swap3A, %swap3A_12] : memref<1024x128xf32, #tpu.memory_space<vmem>>, vector<1024x128xf32>
    tpu.vector_store %arg5[%swap3A, %swap3A_12], %add3A_11 {strides = array<i32>} : memref<1024x128xf32, #tpu.memory_space<vmem>>, vector<1024x128xf32>,
    return
  }
  func.func @transform_0(%arg0: i32) -> (i32, i32) {
    %c0_i32 = arith.constant 0 : i32
    %c0_i32_0 = arith.constant 0 : i32
    return %arg0, %c0_i32 : i32, i32
  }
  func.func @transform_1(%arg0: i32) -> (i32, i32) {
    %c0_i32 = arith.constant 0 : i32
    %c0_i32_0 = arith.constant 0 : i32
    %c0_i32_1 = arith.constant 0 : i32
    return %c0_i32, %c0_i32_0 : i32, i32
  }
  func.func @transform_2(%arg0: i32) -> (i32, i32) {
    %c0_i32 = arith.constant 0 : i32
    %c0_i32_0 = arith.constant 0 : i32
    %c0_i32_1 = arith.constant 0 : i32
    return %c0_i32, %c0_i32_0 : i32, i32
  }
  func.func @transform_4(%arg0: i32) -> (i32, i32) {
    %add3A = arith.constant 8 : i32
    %add3A_0 = arith.addi %arg0, %add3A : i32
    %c0_i32 = arith.constant 0 : i32
    %c0_i32_1 = arith.constant 0 : i32
    return %add3A_0, %c0_i32 : i32, i32
  }
}

module attributes {stable_mosaic.version = 14 : i64} {
  func.func @_tc_hist_mm_body(%arg0: i32, %arg1: memref<512x200xi32, #tpu.memory_space<vmem>>, %arg2: memref<21x128xf32, #tpu.memory_space<vmem>>, %arg3: memref<8x128xf32, #tpu.memory_space<vmem>>, %arg4: memref<512x128xf32, #tpu.memory_space<vmem>>) attributes {dimension_semantics = [#tpu.dimension_semantics<arbitrary>], iteration_bounds = array<i64: 16>, scalar_prefetch = 0 : i64, scratch_operands = 0 : i64, tpu.core_type = #tpu.core_type<tc>, window_params = [{transform_indices = @transform_0, window_bounds = array<i64: 512, 200>}, {pipeline_mode = #tpu.pipeline_mode<synchronous>, transform_indices = @transform_1, window_bounds = array<i64: 21, 128>}, {pipeline_mode = #tpu.pipeline_mode<synchronous>, transform_indices = @transform_2, window_bounds = array<i64: 8, 128>}, {transform_indices = @transform_3, window_bounds = array<i64: 512, 128>}]} {
    %get3A = arith.constant 0 : index
    %get3A_0 = arith.constant 0 : index
    %get3A_1 = vector.load %arg1[%get3A, %get3A_0] : memref<512x200xi32, #tpu.memory_space<vmem>>, vector<512x200xi32>
    %eq3A = arith.constant 0 : i32
    %eq3A_2 = vector.broadcast %eq3A : i32 to vector<512x200xi32>
    %eq3A_3 = arith.cmpi eq, %get3A_1, %eq3A_2 : vector<512x200xi32>
    %convert_element_type3A = arith.extui %eq3A_3 : vector<512x200xi1> to vector<512x200xi32>
    %convert_element_type3A_4 = arith.sitofp %convert_element_type3A : vector<512x200xi32> to vector<512x200xf32>
    %reduce_sum3A = arith.constant dense<0.000000e+00> : vector<512xf32>
    %reduce_sum3A_5 = vector.multi_reduction <add>, %convert_element_type3A_4, %reduce_sum3A [1] : vector<512x200xf32> to vector<512xf32>
    %broadcast_in_dim3A = vector.shape_cast %reduce_sum3A_5 : vector<512xf32> to vector<512x1xf32>
    %eq3A_6 = arith.constant 1 : i32
    %eq3A_7 = vector.broadcast %eq3A_6 : i32 to vector<512x200xi32>
    %eq3A_8 = arith.cmpi eq, %get3A_1, %eq3A_7 : vector<512x200xi32>
    %convert_element_type3A_9 = arith.extui %eq3A_8 : vector<512x200xi1> to vector<512x200xi32>
    %convert_element_type3A_10 = arith.sitofp %convert_element_type3A_9 : vector<512x200xi32> to vector<512x200xf32>
    %reduce_sum3A_11 = arith.constant dense<0.000000e+00> : vector<512xf32>
    %reduce_sum3A_12 = vector.multi_reduction <add>, %convert_element_type3A_10, %reduce_sum3A_11 [1] : vector<512x200xf32> to vector<512xf32>
    %broadcast_in_dim3A_13 = vector.shape_cast %reduce_sum3A_12 : vector<512xf32> to vector<512x1xf32>
    %eq3A_14 = arith.constant 2 : i32
    %eq3A_15 = vector.broadcast %eq3A_14 : i32 to vector<512x200xi32>
    %eq3A_16 = arith.cmpi eq, %get3A_1, %eq3A_15 : vector<512x200xi32>
    %convert_element_type3A_17 = arith.extui %eq3A_16 : vector<512x200xi1> to vector<512x200xi32>
    %convert_element_type3A_18 = arith.sitofp %convert_element_type3A_17 : vector<512x200xi32> to vector<512x200xf32>
    %reduce_sum3A_19 = arith.constant dense<0.000000e+00> : vector<512xf32>
    %reduce_sum3A_20 = vector.multi_reduction <add>, %convert_element_type3A_18, %reduce_sum3A_19 [1] : vector<512x200xf32> to vector<512xf32>
    %broadcast_in_dim3A_21 = vector.shape_cast %reduce_sum3A_20 : vector<512xf32> to vector<512x1xf32>
    %eq3A_22 = arith.constant 3 : i32
    %eq3A_23 = vector.broadcast %eq3A_22 : i32 to vector<512x200xi32>
    %eq3A_24 = arith.cmpi eq, %get3A_1, %eq3A_23 : vector<512x200xi32>
    %convert_element_type3A_25 = arith.extui %eq3A_24 : vector<512x200xi1> to vector<512x200xi32>
    %convert_element_type3A_26 = arith.sitofp %convert_element_type3A_25 : vector<512x200xi32> to vector<512x200xf32>
    %reduce_sum3A_27 = arith.constant dense<0.000000e+00> : vector<512xf32>
    %reduce_sum3A_28 = vector.multi_reduction <add>, %convert_element_type3A_26, %reduce_sum3A_27 [1] : vector<512x200xf32> to vector<512xf32>
    %broadcast_in_dim3A_29 = vector.shape_cast %reduce_sum3A_28 : vector<512xf32> to vector<512x1xf32>
    %eq3A_30 = arith.constant 4 : i32
    %eq3A_31 = vector.broadcast %eq3A_30 : i32 to vector<512x200xi32>
    %eq3A_32 = arith.cmpi eq, %get3A_1, %eq3A_31 : vector<512x200xi32>
    %convert_element_type3A_33 = arith.extui %eq3A_32 : vector<512x200xi1> to vector<512x200xi32>
    %convert_element_type3A_34 = arith.sitofp %convert_element_type3A_33 : vector<512x200xi32> to vector<512x200xf32>
    %reduce_sum3A_35 = arith.constant dense<0.000000e+00> : vector<512xf32>
    %reduce_sum3A_36 = vector.multi_reduction <add>, %convert_element_type3A_34, %reduce_sum3A_35 [1] : vector<512x200xf32> to vector<512xf32>
    %broadcast_in_dim3A_37 = vector.shape_cast %reduce_sum3A_36 : vector<512xf32> to vector<512x1xf32>
    %eq3A_38 = arith.constant 5 : i32
    %eq3A_39 = vector.broadcast %eq3A_38 : i32 to vector<512x200xi32>
    %eq3A_40 = arith.cmpi eq, %get3A_1, %eq3A_39 : vector<512x200xi32>
    %convert_element_type3A_41 = arith.extui %eq3A_40 : vector<512x200xi1> to vector<512x200xi32>
    %convert_element_type3A_42 = arith.sitofp %convert_element_type3A_41 : vector<512x200xi32> to vector<512x200xf32>
    %reduce_sum3A_43 = arith.constant dense<0.000000e+00> : vector<512xf32>
    %reduce_sum3A_44 = vector.multi_reduction <add>, %convert_element_type3A_42, %reduce_sum3A_43 [1] : vector<512x200xf32> to vector<512xf32>
    %broadcast_in_dim3A_45 = vector.shape_cast %reduce_sum3A_44 : vector<512xf32> to vector<512x1xf32>
    %eq3A_46 = arith.constant 6 : i32
    %eq3A_47 = vector.broadcast %eq3A_46 : i32 to vector<512x200xi32>
    %eq3A_48 = arith.cmpi eq, %get3A_1, %eq3A_47 : vector<512x200xi32>
    %convert_element_type3A_49 = arith.extui %eq3A_48 : vector<512x200xi1> to vector<512x200xi32>
    %convert_element_type3A_50 = arith.sitofp %convert_element_type3A_49 : vector<512x200xi32> to vector<512x200xf32>
    %reduce_sum3A_51 = arith.constant dense<0.000000e+00> : vector<512xf32>
    %reduce_sum3A_52 = vector.multi_reduction <add>, %convert_element_type3A_50, %reduce_sum3A_51 [1] : vector<512x200xf32> to vector<512xf32>
    %broadcast_in_dim3A_53 = vector.shape_cast %reduce_sum3A_52 : vector<512xf32> to vector<512x1xf32>
    %eq3A_54 = arith.constant 7 : i32
    %eq3A_55 = vector.broadcast %eq3A_54 : i32 to vector<512x200xi32>
    %eq3A_56 = arith.cmpi eq, %get3A_1, %eq3A_55 : vector<512x200xi32>
    %convert_element_type3A_57 = arith.extui %eq3A_56 : vector<512x200xi1> to vector<512x200xi32>
    %convert_element_type3A_58 = arith.sitofp %convert_element_type3A_57 : vector<512x200xi32> to vector<512x200xf32>
    %reduce_sum3A_59 = arith.constant dense<0.000000e+00> : vector<512xf32>
    %reduce_sum3A_60 = vector.multi_reduction <add>, %convert_element_type3A_58, %reduce_sum3A_59 [1] : vector<512x200xf32> to vector<512xf32>
    %broadcast_in_dim3A_61 = vector.shape_cast %reduce_sum3A_60 : vector<512xf32> to vector<512x1xf32>
    %eq3A_62 = arith.constant 8 : i32
    %eq3A_63 = vector.broadcast %eq3A_62 : i32 to vector<512x200xi32>
    %eq3A_64 = arith.cmpi eq, %get3A_1, %eq3A_63 : vector<512x200xi32>
    %convert_element_type3A_65 = arith.extui %eq3A_64 : vector<512x200xi1> to vector<512x200xi32>
    %convert_element_type3A_66 = arith.sitofp %convert_element_type3A_65 : vector<512x200xi32> to vector<512x200xf32>
    %reduce_sum3A_67 = arith.constant dense<0.000000e+00> : vector<512xf32>
    %reduce_sum3A_68 = vector.multi_reduction <add>, %convert_element_type3A_66, %reduce_sum3A_67 [1] : vector<512x200xf32> to vector<512xf32>
    %broadcast_in_dim3A_69 = vector.shape_cast %reduce_sum3A_68 : vector<512xf32> to vector<512x1xf32>
    %eq3A_70 = arith.constant 9 : i32
    %eq3A_71 = vector.broadcast %eq3A_70 : i32 to vector<512x200xi32>
    %eq3A_72 = arith.cmpi eq, %get3A_1, %eq3A_71 : vector<512x200xi32>
    %convert_element_type3A_73 = arith.extui %eq3A_72 : vector<512x200xi1> to vector<512x200xi32>
    %convert_element_type3A_74 = arith.sitofp %convert_element_type3A_73 : vector<512x200xi32> to vector<512x200xf32>
    %reduce_sum3A_75 = arith.constant dense<0.000000e+00> : vector<512xf32>
    %reduce_sum3A_76 = vector.multi_reduction <add>, %convert_element_type3A_74, %reduce_sum3A_75 [1] : vector<512x200xf32> to vector<512xf32>
    %broadcast_in_dim3A_77 = vector.shape_cast %reduce_sum3A_76 : vector<512xf32> to vector<512x1xf32>
    %eq3A_78 = arith.constant 10 : i32
    %eq3A_79 = vector.broadcast %eq3A_78 : i32 to vector<512x200xi32>
    %eq3A_80 = arith.cmpi eq, %get3A_1, %eq3A_79 : vector<512x200xi32>
    %convert_element_type3A_81 = arith.extui %eq3A_80 : vector<512x200xi1> to vector<512x200xi32>
    %convert_element_type3A_82 = arith.sitofp %convert_element_type3A_81 : vector<512x200xi32> to vector<512x200xf32>
    %reduce_sum3A_83 = arith.constant dense<0.000000e+00> : vector<512xf32>
    %reduce_sum3A_84 = vector.multi_reduction <add>, %convert_element_type3A_82, %reduce_sum3A_83 [1] : vector<512x200xf32> to vector<512xf32>
    %broadcast_in_dim3A_85 = vector.shape_cast %reduce_sum3A_84 : vector<512xf32> to vector<512x1xf32>
    %eq3A_86 = arith.constant 11 : i32
    %eq3A_87 = vector.broadcast %eq3A_86 : i32 to vector<512x200xi32>
    %eq3A_88 = arith.cmpi eq, %get3A_1, %eq3A_87 : vector<512x200xi32>
    %convert_element_type3A_89 = arith.extui %eq3A_88 : vector<512x200xi1> to vector<512x200xi32>
    %convert_element_type3A_90 = arith.sitofp %convert_element_type3A_89 : vector<512x200xi32> to vector<512x200xf32>
    %reduce_sum3A_91 = arith.constant dense<0.000000e+00> : vector<512xf32>
    %reduce_sum3A_92 = vector.multi_reduction <add>, %convert_element_type3A_90, %reduce_sum3A_91 [1] : vector<512x200xf32> to vector<512xf32>
    %broadcast_in_dim3A_93 = vector.shape_cast %reduce_sum3A_92 : vector<512xf32> to vector<512x1xf32>
    %eq3A_94 = arith.constant 12 : i32
    %eq3A_95 = vector.broadcast %eq3A_94 : i32 to vector<512x200xi32>
    %eq3A_96 = arith.cmpi eq, %get3A_1, %eq3A_95 : vector<512x200xi32>
    %convert_element_type3A_97 = arith.extui %eq3A_96 : vector<512x200xi1> to vector<512x200xi32>
    %convert_element_type3A_98 = arith.sitofp %convert_element_type3A_97 : vector<512x200xi32> to vector<512x200xf32>
    %reduce_sum3A_99 = arith.constant dense<0.000000e+00> : vector<512xf32>
    %reduce_sum3A_100 = vector.multi_reduction <add>, %convert_element_type3A_98, %reduce_sum3A_99 [1] : vector<512x200xf32> to vector<512xf32>
    %broadcast_in_dim3A_101 = vector.shape_cast %reduce_sum3A_100 : vector<512xf32> to vector<512x1xf32>
    %eq3A_102 = arith.constant 13 : i32
    %eq3A_103 = vector.broadcast %eq3A_102 : i32 to vector<512x200xi32>
    %eq3A_104 = arith.cmpi eq, %get3A_1, %eq3A_103 : vector<512x200xi32>
    %convert_element_type3A_105 = arith.extui %eq3A_104 : vector<512x200xi1> to vector<512x200xi32>
    %convert_element_type3A_106 = arith.sitofp %convert_element_type3A_105 : vector<512x200xi32> to vector<512x200xf32>
    %reduce_sum3A_107 = arith.constant dense<0.000000e+00> : vector<512xf32>
    %reduce_sum3A_108 = vector.multi_reduction <add>, %convert_element_type3A_106, %reduce_sum3A_107 [1] : vector<512x200xf32> to vector<512xf32>
    %broadcast_in_dim3A_109 = vector.shape_cast %reduce_sum3A_108 : vector<512xf32> to vector<512x1xf32>
    %eq3A_110 = arith.constant 14 : i32
    %eq3A_111 = vector.broadcast %eq3A_110 : i32 to vector<512x200xi32>
    %eq3A_112 = arith.cmpi eq, %get3A_1, %eq3A_111 : vector<512x200xi32>
    %convert_element_type3A_113 = arith.extui %eq3A_112 : vector<512x200xi1> to vector<512x200xi32>
    %convert_element_type3A_114 = arith.sitofp %convert_element_type3A_113 : vector<512x200xi32> to vector<512x200xf32>
    %reduce_sum3A_115 = arith.constant dense<0.000000e+00> : vector<512xf32>
    %reduce_sum3A_116 = vector.multi_reduction <add>, %convert_element_type3A_114, %reduce_sum3A_115 [1] : vector<512x200xf32> to vector<512xf32>
    %broadcast_in_dim3A_117 = vector.shape_cast %reduce_sum3A_116 : vector<512xf32> to vector<512x1xf32>
    %eq3A_118 = arith.constant 15 : i32
    %eq3A_119 = vector.broadcast %eq3A_118 : i32 to vector<512x200xi32>
    %eq3A_120 = arith.cmpi eq, %get3A_1, %eq3A_119 : vector<512x200xi32>
    %convert_element_type3A_121 = arith.extui %eq3A_120 : vector<512x200xi1> to vector<512x200xi32>
    %convert_element_type3A_122 = arith.sitofp %convert_element_type3A_121 : vector<512x200xi32> to vector<512x200xf32>
    %reduce_sum3A_123 = arith.constant dense<0.000000e+00> : vector<512xf32>
    %reduce_sum3A_124 = vector.multi_reduction <add>, %convert_element_type3A_122, %reduce_sum3A_123 [1] : vector<512x200xf32> to vector<512xf32>
    %broadcast_in_dim3A_125 = vector.shape_cast %reduce_sum3A_124 : vector<512xf32> to vector<512x1xf32>
    %eq3A_126 = arith.constant 16 : i32
    %eq3A_127 = vector.broadcast %eq3A_126 : i32 to vector<512x200xi32>
    %eq3A_128 = arith.cmpi eq, %get3A_1, %eq3A_127 : vector<512x200xi32>
    %convert_element_type3A_129 = arith.extui %eq3A_128 : vector<512x200xi1> to vector<512x200xi32>
    %convert_element_type3A_130 = arith.sitofp %convert_element_type3A_129 : vector<512x200xi32> to vector<512x200xf32>
    %reduce_sum3A_131 = arith.constant dense<0.000000e+00> : vector<512xf32>
    %reduce_sum3A_132 = vector.multi_reduction <add>, %convert_element_type3A_130, %reduce_sum3A_131 [1] : vector<512x200xf32> to vector<512xf32>
    %broadcast_in_dim3A_133 = vector.shape_cast %reduce_sum3A_132 : vector<512xf32> to vector<512x1xf32>
    %eq3A_134 = arith.constant 17 : i32
    %eq3A_135 = vector.broadcast %eq3A_134 : i32 to vector<512x200xi32>
    %eq3A_136 = arith.cmpi eq, %get3A_1, %eq3A_135 : vector<512x200xi32>
    %convert_element_type3A_137 = arith.extui %eq3A_136 : vector<512x200xi1> to vector<512x200xi32>
    %convert_element_type3A_138 = arith.sitofp %convert_element_type3A_137 : vector<512x200xi32> to vector<512x200xf32>
    %reduce_sum3A_139 = arith.constant dense<0.000000e+00> : vector<512xf32>
    %reduce_sum3A_140 = vector.multi_reduction <add>, %convert_element_type3A_138, %reduce_sum3A_139 [1] : vector<512x200xf32> to vector<512xf32>
    %broadcast_in_dim3A_141 = vector.shape_cast %reduce_sum3A_140 : vector<512xf32> to vector<512x1xf32>
    %eq3A_142 = arith.constant 18 : i32
    %eq3A_143 = vector.broadcast %eq3A_142 : i32 to vector<512x200xi32>
    %eq3A_144 = arith.cmpi eq, %get3A_1, %eq3A_143 : vector<512x200xi32>
    %convert_element_type3A_145 = arith.extui %eq3A_144 : vector<512x200xi1> to vector<512x200xi32>
    %convert_element_type3A_146 = arith.sitofp %convert_element_type3A_145 : vector<512x200xi32> to vector<512x200xf32>
    %reduce_sum3A_147 = arith.constant dense<0.000000e+00> : vector<512xf32>
    %reduce_sum3A_148 = vector.multi_reduction <add>, %convert_element_type3A_146, %reduce_sum3A_147 [1] : vector<512x200xf32> to vector<512xf32>
    %broadcast_in_dim3A_149 = vector.shape_cast %reduce_sum3A_148 : vector<512xf32> to vector<512x1xf32>
    %eq3A_150 = arith.constant 19 : i32
    %eq3A_151 = vector.broadcast %eq3A_150 : i32 to vector<512x200xi32>
    %eq3A_152 = arith.cmpi eq, %get3A_1, %eq3A_151 : vector<512x200xi32>
    %convert_element_type3A_153 = arith.extui %eq3A_152 : vector<512x200xi1> to vector<512x200xi32>
    %convert_element_type3A_154 = arith.sitofp %convert_element_type3A_153 : vector<512x200xi32> to vector<512x200xf32>
    %reduce_sum3A_155 = arith.constant dense<0.000000e+00> : vector<512xf32>
    %reduce_sum3A_156 = vector.multi_reduction <add>, %convert_element_type3A_154, %reduce_sum3A_155 [1] : vector<512x200xf32> to vector<512xf32>
    %broadcast_in_dim3A_157 = vector.shape_cast %reduce_sum3A_156 : vector<512xf32> to vector<512x1xf32>
    %eq3A_158 = arith.constant 20 : i32
    %eq3A_159 = vector.broadcast %eq3A_158 : i32 to vector<512x200xi32>
    %eq3A_160 = arith.cmpi eq, %get3A_1, %eq3A_159 : vector<512x200xi32>
    %convert_element_type3A_161 = arith.extui %eq3A_160 : vector<512x200xi1> to vector<512x200xi32>
    %convert_element_type3A_162 = arith.sitofp %convert_element_type3A_161 : vector<512x200xi32> to vector<512x200xf32>
    %reduce_sum3A_163 = arith.constant dense<0.000000e+00> : vector<512xf32>
    %reduce_sum3A_164 = vector.multi_reduction <add>, %convert_element_type3A_162, %reduce_sum3A_163 [1] : vector<512x200xf32> to vector<512xf32>
    %broadcast_in_dim3A_165 = vector.shape_cast %reduce_sum3A_164 : vector<512xf32> to vector<512x1xf32>
    %concatenate3A = tpu.concatenate %broadcast_in_dim3A, %broadcast_in_dim3A_13, %broadcast_in_dim3A_21, %broadcast_in_dim3A_29, %broadcast_in_dim3A_37, %broadcast_in_dim3A_45, %broadcast_in_dim3A_53, %broadcast_in_dim3A_61, %broadcast_in_dim3A_69, %broadcast_in_dim3A_77, %broadcast_in_dim3A_85, %broadcast_in_dim3A_93, %broadcast_in_dim3A_101, %broadcast_in_dim3A_109, %broadcast_in_dim3A_117, %broadcast_in_dim3A_125, %broadcast_in_dim3A_133, %broadcast_in_dim3A_141, %broadcast_in_dim3A_149, %broadcast_in_dim3A_157, %broadcast_in_dim3A_165 in 1 : vector<512x1xf32>, vector<512x1xf32>, vector<512x1xf32>, vector<512x1xf32>, vector<512x1xf32>, vector<512x1xf32>, vector<512x1xf32>, vector<512x1xf32>, vector<512x1xf32>, vector<512x1xf32>, vector<512x1xf32>, vector<512x1xf32>, vector<512x1xf32>, vector<512x1xf32>, vector<512x1xf32>, vector<512x1xf32>, vector<512x1xf32>, vector<512x1xf32>, vector<512x1xf32>, vector<512x1xf32>, vector<512x1xf32> -> vector<512x21xf32>
    %get3A_166 = arith.constant 0 : index
    %get3A_167 = arith.constant 0 : index
    %get3A_168 = vector.load %arg2[%get3A_166, %get3A_167] : memref<21x128xf32, #tpu.memory_space<vmem>>, vector<21x128xf32>
    %dot_general3A = arith.constant dense<0.000000e+00> : vector<512x128xf32>
    %dot_general3A_169 = tpu.matmul %concatenate3A, %get3A_168, %dot_general3A {dimension_numbers = #tpu.dot_dimension_numbers<[1], [0], [0], [1], [0, 0, 1, 1], [], []>, transpose_lhs_hint = false} : vector<512x21xf32>, vector<21x128xf32>, vector<512x128xf32> -> vector<512x128xf32>
    %mul3A = arith.constant 5.000000e-03 : f32
    %mul3A_170 = vector.broadcast %mul3A : f32 to vector<512x128xf32>
    %mul3A_171 = arith.mulf %dot_general3A_169, %mul3A_170 : vector<512x128xf32>
    %get3A_172 = arith.constant 0 : index
    %get3A_173 = arith.constant 0 : index
    %get3A_174 = vector.load %arg3[%get3A_172, %get3A_173] : memref<8x128xf32, #tpu.memory_space<vmem>>, vector<1x128xf32>
    %add3A = vector.broadcast %get3A_174 : vector<1x128xf32> to vector<512x128xf32>
    %add3A_175 = arith.addf %mul3A_171, %add3A : vector<512x128xf32>
    %swap3A = arith.constant 0 : index
    %swap3A_176 = arith.constant 0 : index
    %swap3A_177 = vector.load %arg4[%swap3A, %swap3A_176] : memref<512x128xf32, #tpu.memory_space<vmem>>, vector<512x128xf32>
    tpu.vector_store %arg4[%swap3A, %swap3A_176], %add3A_175 {strides = array<i32>} : memref<512x128xf32, #tpu.memory_space<vmem>>, vector<512x128xf32>,
    return
  }
  func.func @transform_0(%arg0: i32) -> (i32, i32) {
    %c0_i32 = arith.constant 0 : i32
    %c0_i32_0 = arith.constant 0 : i32
    return %arg0, %c0_i32 : i32, i32
  }
  func.func @transform_1(%arg0: i32) -> (i32, i32) {
    %c0_i32 = arith.constant 0 : i32
    %c0_i32_0 = arith.constant 0 : i32
    %c0_i32_1 = arith.constant 0 : i32
    return %c0_i32, %c0_i32_0 : i32, i32
  }
  func.func @transform_2(%arg0: i32) -> (i32, i32) {
    %c0_i32 = arith.constant 0 : i32
    %c0_i32_0 = arith.constant 0 : i32
    %c0_i32_1 = arith.constant 0 : i32
    return %c0_i32, %c0_i32_0 : i32, i32
  }
  func.func @transform_3(%arg0: i32) -> (i32, i32) {
    %c0_i32 = arith.constant 0 : i32
    %c0_i32_0 = arith.constant 0 : i32
    return %arg0, %c0_i32 : i32, i32
  }
}

</mosaic_0001>

<sc_bundles>
// kernel: kernel.5.cloned.1.call-start
scs
__scs_entry_jumppad:
0x0: {  	(pc) =	sbr.rel $0x88, $3  }
0x1: {  	(tag) =	ssettag $0x0;
	lr =	simm.s32 $0x1  }
0x2: {  	[smem:$0x3F9F] =	sst lr;
	_ =	strace $0xD0000000  }
0x3: {  	_ = 	snop  }
0x4: {  	_ = 	snop  }
0x5: {  	_ = 	snop  }
0x6: {  	_ = 	snop  }
0x7: {  	_ = 	snop  }
__scs_overlays_trampoline_lowered:
0x8: {  	[smem:$0x3FAE] =	sst s0  }
0x9: {  	[smem:$0x3FAF] =	sst s1  }
0xa: {  	[smem:$0x3FB0] =	sst s2  }
0xb: {  	[smem:$0x3FB1] =	sst s3  }
0xc: {  	[smem:$0x3FB2] =	sst s4  }
0xd: {  	[smem:$0x3FB3] =	sst s5  }
0xe: {  	[smem:$0x3FB4] =	sst s6  }
0xf: {  	[smem:$0x3FB5] =	sst s7  }
0x10: {  	[smem:$0x3FB6] =	sst s8  }
0x11: {  	[smem:$0x3FB7] =	sst s9;
	s0 =	simm.s32 @!p0 $0x0  }
0x12: {  	s1 =	sld [smem:$0x3F9D];
	s0 =	simm.s32 @p0 $0x1  }
0x13: {  	[smem:$0x3FB8] =	sst s0;
	s0 =	simm.s32 @!p1 $0x0  }
0x14: {  	s2 =	sld [smem:$0x3F9C];
	s0 =	simm.s32 @p1 $0x1  }
0x15: {  	[smem:$0x3FB9] =	sst s0;
	s0 =	simm.s32 @!p2 $0x0  }
0x16: {  	s3 =	sld [smem:$0x3FDB];
	s0 =	simm.s32 @p2 $0x1  }
0x17: {  	s4 =	simm.s32 $0x1BF5;
	[smem:$0x3FBB] =	sst s0  }
0x18: {  	s0 =	sld [smem:$0x3F9E];
	_ =	swait.ge [sflag:s4], $0x0  }
0x19: {  	s7 =	sld [smem:$0x3F9F]  }
0x1a: {  	s8 =	sadd.s32 $0xFFFFE003, lr  }
0x1b: {  	s9 =	sadd.s32 $0xFFFFFEF7, lr;
	s5 =	simm.s32 $0xFFFFFFFF;
	p2 =	slt.u32 s8, $0xFFFFF086  }
0x1c: {  	p1 =	slt.u32 s9, $0xF7A;
	s5 =	simm.s32 @!p2 $0x0  }
0x1d: {  	s5 =	simm.s32 @p1 $0x1;
	p0 =	seq.s32 s7, s2  }
0x1e: {  	s7 =	smul.u32 @!p0 $0xF7A, s2;
	p2 =	seq.s32 @!p0 s5, $0x0  }
0x1f: {  	s9 =	smul.u32 $0xF7A, s1;
	s8 =	simm.s32 @!p0 $0x1BF5;
	p2 =	por !p2, p0  }
0x20: {  	[sflag:s8] =	ssyncset.s32 @!p0 $0xFFFFF086;
	s6 =	sadd.s32 @!p0 s3, s7;
	s7 =	simm.s32 @!p0 $0x108  }
0x21: {  	s3 =	sadd.s32 s3, s9;
	s6 =	sadd.s32 @!p0 $0x88, s6;
	s7 =	simm.s32 @p2 $0x1082  }
0x22: {  	[simem:s7], [sflag:s8] =	dma.local @!p0 [hbm:s6], $0xF7A  }
0x23: {  	s9 =	sor.u32 $0xD0000000, s2;
	s6 =	simm.s32 $0x108;
	_ =	swait.ge @!p0 [sflag:s8], $0x0  }
0x24: {  	s3 =	sadd.s32 $0x88, s3;
	s6 =	simm.s32 @!p1 $0x1082;
	[sflag:s4] =	ssyncset.s32 $0xFFFFF086  }
0x25: {  	[simem:s6], [sflag:s4] =	dma.local [hbm:s3], $0xF7A  }
0x26: {  	[smem:$0x3F9F] =	sst s1;
	(tag) =	ssettag s2;
	_ =	strace s9  }
0x27: {  	s1 =	sld [smem:$0x3FAF]  }
0x28: {  	s2 =	sld [smem:$0x3FB0]  }
0x29: {  	s4 =	sld [smem:$0x3FB2]  }
0x2a: {  	p0 =	seq.s32 s5, $0x0;
	s5 =	sld [smem:$0x3FB3]  }
0x2b: {  	s6 =	sld [smem:$0x3FB4]  }
0x2c: {  	s7 =	sld [smem:$0x3FB5]  }
0x2d: {  	s3 =	simm.s32 $0x108;
	s8 =	sld [smem:$0x3FB6]  }
0x2e: {  	s3 =	simm.s32 @!p0 $0x1082;
	s9 =	sld [smem:$0x3FB7]  }
0x2f: {  	lr =	sadd.s32 s0, s3;
	s0 =	sld [smem:$0x3FAE]  }
0x30: {  	s3 =	sld [smem:$0x3FB1]  }
0x31: {  	[smem:$0x3FBA] =	sst s10  }
0x32: {  	s10 =	sld [smem:$0x3FB8];
	_ =	sdelay $0x3  }
0x33: {  	p0 =	seq.s32 s10, $0x1;
	s10 =	sld [smem:$0x3FBA];
	_ =	sdelay $0x3  }
0x34: {  	[smem:$0x3FBA] =	sst s10  }
0x35: {  	s10 =	sld [smem:$0x3FB9];
	_ =	sdelay $0x3  }
0x36: {  	p1 =	seq.s32 s10, $0x1;
	s10 =	sld [smem:$0x3FBA];
	_ =	sdelay $0x3  }
0x37: {  	[smem:$0x3FBA] =	sst s10  }
0x38: {  	s10 =	sld [smem:$0x3FBB]  }
0x39: {  	_ = 	snop;
	(pc) =	sbr.ind lr, $3  }
0x3a: {  	_ = 	snop  }
0x3b: {  	_ = 	snop  }
0x3c: {  	p2 =	seq.s32 s10, $0x1;
	s10 =	sld [smem:$0x3FBA]  }
0x3d: {  	_ =	shalt  }
0x3e: {  	_ =	shalt  }
0x3f: {  	_ =	shalt  }
0x40: {  	_ =	shalt  }
0x41: {  	_ =	shalt  }
0x42: {  	_ =	shalt  }
0x43: {  	_ =	shalt  }
0x44: {  	_ =	shalt  }
0x45: {  	_ =	shalt  }
0x46: {  	_ =	shalt  }
0x47: {  	_ =	shalt  }
0x48: {  	_ =	shalt  }
0x49: {  	_ =	shalt  }
0x4a: {  	_ =	shalt  }
0x4b: {  	_ =	shalt  }
0x4c: {  	_ =	shalt  }
0x4d: {  	_ =	shalt  }
0x4e: {  	_ =	shalt  }
0x4f: {  	_ =	shalt  }
0x50: {  	_ =	shalt  }
0x51: {  	_ =	shalt  }
0x52: {  	_ =	shalt  }
0x53: {  	_ =	shalt  }
0x54: {  	_ =	shalt  }
0x55: {  	_ =	shalt  }
0x56: {  	_ =	shalt  }
0x57: {  	_ =	shalt  }
0x58: {  	_ =	shalt  }
0x59: {  	_ =	shalt  }
0x5a: {  	_ =	shalt  }
0x5b: {  	_ =	shalt  }
0x5c: {  	_ =	shalt  }
0x5d: {  	_ =	shalt  }
0x5e: {  	_ =	shalt  }
0x5f: {  	_ =	shalt  }
0x60: {  	_ =	shalt  }
0x61: {  	_ =	shalt  }
0x62: {  	_ =	shalt  }
0x63: {  	_ =	shalt  }
0x64: {  	_ =	shalt  }
0x65: {  	_ =	shalt  }
0x66: {  	_ =	shalt  }
0x67: {  	_ =	shalt  }
0x68: {  	_ =	shalt  }
0x69: {  	_ =	shalt  }
0x6a: {  	_ =	shalt  }
0x6b: {  	_ =	shalt  }
0x6c: {  	_ =	shalt  }
0x6d: {  	_ =	shalt  }
0x6e: {  	_ =	shalt  }
0x6f: {  	_ =	shalt  }
0x70: {  	_ =	shalt  }
0x71: {  	_ =	shalt  }
0x72: {  	_ =	shalt  }
0x73: {  	_ =	shalt  }
0x74: {  	_ =	shalt  }
0x75: {  	_ =	shalt  }
0x76: {  	_ =	shalt  }
0x77: {  	_ =	shalt  }
0x78: {  	_ =	shalt  }
0x79: {  	_ =	shalt  }
0x7a: {  	_ =	shalt  }
0x7b: {  	_ =	shalt  }
0x7c: {  	_ =	shalt  }
0x7d: {  	_ =	shalt  }
0x7e: {  	_ =	shalt  }
0x7f: {  	_ =	shalt  }
0x80: {  	_ =	shalt  }
0x81: {  	_ =	shalt  }
0x82: {  	_ =	shalt  }
0x83: {  	_ =	shalt  }
0x84: {  	_ =	shalt  }
0x85: {  	_ =	shalt  }
0x86: {  	_ =	shalt  }
0x87: {  	_ =	shalt  }
.Lfunc_end0:
.L_simem_size_0:
called_computation_lowered:
.L_overlay_start_0:
0x88: {  	s2 =	sld [smem:$0x3FD9]  }
0x89: {  	s3 =	sld [smem:$0x3FFE];
	_ =	sdelay $0x1  }
0x8a: {  	s1 =	srdreg.scid  }
0x8b: {  	s0 =	sand.u32 $0x1, s1  }
0x8c: {  	s16 =	sshll.u32 s0, $0xA;
	s2 =	sadd.s32 s3, s2  }
0x8d: {  	s2 =	sadd.s32 s2, s16  }
0x8e: {  	[smem:$0x3FC6] =	sst s2  }
0x8f: {  	_ = 	snop  }
0x90: {  	(tm) =	ssettm $0x1  }
0x91: {  	s17 =	sld [smem:$0x3FFB];
	_ =	sdelay $0x3  }
0x92: {  	_ =	strace s17  }
0x93: {  	s2 =	sld [smem:$0x3FFC];
	_ =	sdelay $0x3  }
0x94: {  	_ =	strace s2  }
0x95: {  	s2 =	sld [smem:$0x3FFD];
	_ =	sdelay $0x3  }
0x96: {  	_ =	strace s2  }
0x97: {  	_ =	strace $0x8FFFFFFF  }
0x98: {  	s18 =	sld [smem:$0x3FDB];
	_ =	sdelay $0x1  }
0x99: {  	s19 =	simm.s32 $_scs_section_size  }
0x9a: {  	s4 =	simm.s32 $_size__tile_overlayer_lowered;
	s5 =	simm.s32 $_tile_overlayer_lowered  }
0x9b: {  	s22 =	simm.s32 $0x1BFF;
	s21 =	sshll.u32 s5, $0x1;
	s2 =	sadd.s32 s19, s18  }
0x9c: {  	s6 =	simm.s32 $0x0;
	s20 =	sshll.u32 s4, $0x1;
	s4 =	sadd.s32 s21, s2  }
0x9d: {  	[timem:s6], [sflag:s22] =	dma.local [hbm:s4], s20  }
0x9e: {  	_ =	swait.ge [sflag:s22], s20  }
0x9f: {  	s3 =	ssub.s32 $0x0, s20;
	[sflag:s22] =	ssyncset.done $0x0  }
0xa0: {  	[sflag:s22] =	ssyncadd.s32 s3;
	_ =	sdelay $0x1  }
0xa1: {  	s23 =	simm.s32 $0x1B8B  }
0xa2: {  	_ =	swait.ge [sflag:s23], $0x1  }
0xa3: {  	[sflag:s23] =	ssyncset.done $0x0  }
0xa4: {  	s25 =	simm.s32 $0x1B8E;
	s24 =	sld [smem:$0x3FFE];
	[sflag:s23] =	ssyncadd.s32 $0xFFFFFFFF  }
0xa5: {  	s26 =	simm.s32 $execute0_lowered;
	[smem:$0x3FD2] =	sst s25  }
0xa6: {  	s4 =	sshll.u32 s26, $0x1;
	_ =	strace $0x80000046;
	[dreg:$0x1] =	wrdreg $0xFFFFFFFF  }
0xa7: {  	s28 =	simm.s32 $_size_execute0_lowered;
	s2 =	sadd.s32 s2, s4;
	[dreg:$0x0] =	wrdreg $0x0  }
0xa8: {  	s4 =	sshll.u32 s28, $0x1;
	[dreg:$0x2] =	wrdreg s2  }
0xa9: {  	[dreg:$0x3] =	wrdreg s4  }
0xaa: {  	[dreg:$0x4] =	wrdreg $0xC0  }
0xab: {  	_ =	task [dreg:s6], $0x5FFFF  }
0xac: {  	[dreg:$0x1] =	wrdreg $0xFFFFFFFF  }
0xad: {  	[dreg:$0x0] =	wrdreg $0x60  }
0xae: {  	[dreg:$0x2] =	wrdreg s24  }
0xaf: {  	[dreg:$0x3] =	wrdreg $0x9  }
0xb0: {  	_ =	task.clear_ibuf [dreg:s6], $0x4FFFF;
	_ =	strace $0x90000046  }
0xb1: {  	s29 =	simm.s32 $0x9;
	_ =	strace $0x80000048  }
0xb2: {  	_ =	swait.ge [sflag:s29], $0x1  }
0xb3: {  	[sflag:s29] =	ssyncadd.s32 $0xFFFFFFFF  }
0xb4: {  	_ =	strace $0x90000048  }
0xb5: {  	_ =	sfence  }
0xb6: {  	s30 =	sld [smem:$0x0];
	_ =	sdelay $0x2  }
0xb7: {  	s31 =	sshll.u32 s1, $0xD;
	s1 =	sshrl.u32 s1, $0x2  }
0xb8: {  	s3 =	sand.u32 $0x4000, s31;
	s1 =	sadd.s32 s1, s30  }
0xb9: {  	s0 =	sor.u32 s3, s0;
	s1 =	sshll.u32 s1, $0x11  }
0xba: {  	s0 =	sor.u32 s1, s0  }
0xbb: {  	s0 =	sadd.s32 $0x8F2B, s0  }
0xbc: {  	[sflag:s0] =	ssyncadd.remote.s32 $0x1  }
0xbd: {  	_ =	sfence.sel $0xFFFF  }
0xbe: {  	[dreg:$0x0] =	wrdreg $0xFFFFFFFF;
	(pc) =	sbr.abs _section_cstart, $3  }
0xbf: {  	[dreg:$0x1] =	wrdreg $0xFFFFFFFF  }
0xc0: {  	_ =	task.clear_ibuf [dreg:s6], $0x2FFFF;
	_ =	strace $0x9FFFFFFF  }
0xc1: {  	(tm) =	ssettm $0x7FFFFFFF  }
tec
execute0_lowered:
.L_overlay_start_1:
0x0: {  	(tag) =	ssettag $0x1  }
0x1: {  	v0 =	vimm.s32 $0xB80;
	vm14 =	vcmask $0x300;
	vm13 =	vcmask $0x704  }
0x2: {  	vm12 =	vcmask $0xB08;
	vm11 =	vcmask $0xF0C;
	vm10 =	vcmask $0x1310  }
0x3: {  	vm9 =	vcmask $0x1714;
	vm8 =	vcmask $0x1B18;
	vm7 =	vcmask $0x1F1C  }
0x4: {  	vm6 =	vcmask $0x2320;
	vm5 =	vcmask $0x2724;
	vm4 =	vcmask $0x2B28  }
0x5: {  	vm3 =	vcmask $0x2F2C;
	vm2 =	vcmask $0x3330;
	vm1 =	vcmask $0x3734  }
0x6: {  	vm0 =	vcmask $0x3B38;
	v2 =	vlaneseq.u32;
	v4 =	vimm.s32 $0xB83  }
0x7: {  	v5 =	vimm.s32 $0x1B80;
	v3 =	vimm.f32 $1.000000000e+00;
	v6 =	vimm.s32 $0x1B83  }
0x8: {  	v8 =	vimm.s32 $0x2B80;
	v9 =	vimm.s32 $0x2B83;
	v10 =	vimm.s32 $0x3B80  }
0x9: {  	v13 =	vimm.s32 $0x3B83;
	v14 =	vimm.s32 $0x4B80;
	v15 =	vimm.s32 $0x4B83  }
0xa: {  	v17 =	vimm.s32 $0x5B80;
	v18 =	vimm.s32 $0x5B83;
	v19 =	vimm.s32 $0x6B80  }
0xb: {  	v22 =	vimm.s32 $0x6B83;
	v23 =	vimm.s32 $0x7B80;
	v24 =	vimm.s32 $0x7B83  }
0xc: {  	v0 =	vsel vm14, $0x0, v0;
	v2 =	vmul.u32 $0x80, v2;
	v4 =	vsel vm14, $0x3, v4  }
0xd: {  	v5 =	vsel vm14, $0x1000, v5;
	v6 =	vsel vm14, $0x1003, v6;
	v8 =	vsel vm14, $0x2000, v8  }
0xe: {  	v9 =	vsel vm14, $0x2003, v9;
	v10 =	vsel vm14, $0x3000, v10;
	v13 =	vsel vm14, $0x3003, v13  }
0xf: {  	v14 =	vsel vm14, $0x4000, v14;
	v15 =	vsel vm14, $0x4003, v15;
	v17 =	vsel vm14, $0x5000, v17  }
0x10: {  	v18 =	vsel vm14, $0x5003, v18;
	v19 =	vsel vm14, $0x6000, v19;
	v22 =	vsel vm14, $0x6003, v22  }
0x11: {  	v23 =	vsel vm14, $0x7000, v23;
	v24 =	vsel vm14, $0x7003, v24;
	v0 =	vsel vm13, $0x80, v0  }
0x12: {  	v4 =	vsel vm13, $0x83, v4;
	v5 =	vsel vm13, $0x1080, v5;
	v6 =	vsel vm13, $0x1083, v6  }
0x13: {  	v8 =	vsel vm13, $0x2080, v8;
	v9 =	vsel vm13, $0x2083, v9;
	v10 =	vsel vm13, $0x3080, v10  }
0x14: {  	v13 =	vsel vm13, $0x3083, v13;
	v14 =	vsel vm13, $0x4080, v14;
	v15 =	vsel vm13, $0x4083, v15  }
0x15: {  	v17 =	vsel vm13, $0x5080, v17;
	v18 =	vsel vm13, $0x5083, v18;
	v19 =	vsel vm13, $0x6080, v19  }
0x16: {  	v22 =	vsel vm13, $0x6083, v22;
	v23 =	vsel vm13, $0x7080, v23;
	v24 =	vsel vm13, $0x7083, v24  }
0x17: {  	v0 =	vsel vm12, $0x100, v0;
	v4 =	vsel vm12, $0x103, v4;
	v5 =	vsel vm12, $0x1100, v5  }
0x18: {  	v6 =	vsel vm12, $0x1103, v6;
	v8 =	vsel vm12, $0x2100, v8;
	v9 =	vsel vm12, $0x2103, v9  }
0x19: {  	v10 =	vsel vm12, $0x3100, v10;
	v13 =	vsel vm12, $0x3103, v13;
	v14 =	vsel vm12, $0x4100, v14  }
0x1a: {  	v15 =	vsel vm12, $0x4103, v15;
	v17 =	vsel vm12, $0x5100, v17;
	v18 =	vsel vm12, $0x5103, v18  }
0x1b: {  	v19 =	vsel vm12, $0x6100, v19;
	v22 =	vsel vm12, $0x6103, v22;
	v23 =	vsel vm12, $0x7100, v23  }
0x1c: {  	v24 =	vsel vm12, $0x7103, v24;
	v26 =	vor.u32 $0x4000, v2;
	v27 =	vor.u32 $0x4800, v2  }
0x1d: {  	v28 =	vor.u32 $0x5000, v2;
	v0 =	vsel vm11, $0x180, v0;
	v4 =	vsel vm11, $0x183, v4  }
0x1e: {  	v5 =	vsel vm11, $0x1180, v5;
	v6 =	vsel vm11, $0x1183, v6;
	v8 =	vsel vm11, $0x2180, v8  }
0x1f: {  	v9 =	vsel vm11, $0x2183, v9;
	v10 =	vsel vm11, $0x3180, v10;
	v13 =	vsel vm11, $0x3183, v13  }
0x20: {  	v14 =	vsel vm11, $0x4180, v14;
	v15 =	vsel vm11, $0x4183, v15;
	v17 =	vsel vm11, $0x5180, v17  }
0x21: {  	v18 =	vsel vm11, $0x5183, v18;
	v19 =	vsel vm11, $0x6180, v19;
	v22 =	vsel vm11, $0x6183, v22  }
0x22: {  	v23 =	vsel vm11, $0x7180, v23;
	v24 =	vsel vm11, $0x7183, v24;
	v0 =	vsel vm10, $0x200, v0  }
0x23: {  	v4 =	vsel vm10, $0x203, v4;
	v5 =	vsel vm10, $0x1200, v5;
	v6 =	vsel vm10, $0x1203, v6  }
0x24: {  	v8 =	vsel vm10, $0x2200, v8;
	v9 =	vsel vm10, $0x2203, v9;
	v10 =	vsel vm10, $0x3200, v10  }
0x25: {  	v13 =	vsel vm10, $0x3203, v13;
	v14 =	vsel vm10, $0x4200, v14;
	v15 =	vsel vm10, $0x4203, v15  }
0x26: {  	v17 =	vsel vm10, $0x5200, v17;
	v18 =	vsel vm10, $0x5203, v18;
	v19 =	vsel vm10, $0x6200, v19  }
0x27: {  	v22 =	vsel vm10, $0x6203, v22;
	v23 =	vsel vm10, $0x7200, v23;
	v24 =	vsel vm10, $0x7203, v24  }
0x28: {  	v0 =	vsel vm9, $0x280, v0;
	v4 =	vsel vm9, $0x283, v4;
	v5 =	vsel vm9, $0x1280, v5  }
0x29: {  	v6 =	vsel vm9, $0x1283, v6;
	v8 =	vsel vm9, $0x2280, v8;
	v9 =	vsel vm9, $0x2283, v9  }
0x2a: {  	v10 =	vsel vm9, $0x3280, v10;
	v13 =	vsel vm9, $0x3283, v13;
	v14 =	vsel vm9, $0x4280, v14  }
0x2b: {  	v15 =	vsel vm9, $0x4283, v15;
	v17 =	vsel vm9, $0x5280, v17;
	v18 =	vsel vm9, $0x5283, v18  }
0x2c: {  	v19 =	vsel vm9, $0x6280, v19;
	v22 =	vsel vm9, $0x6283, v22;
	v23 =	vsel vm9, $0x7280, v23  }
0x2d: {  	v24 =	vsel vm9, $0x7283, v24;
	v0 =	vsel vm8, $0x300, v0;
	v4 =	vsel vm8, $0x303, v4  }
0x2e: {  	v5 =	vsel vm8, $0x1300, v5;
	v6 =	vsel vm8, $0x1303, v6;
	v8 =	vsel vm8, $0x2300, v8  }
0x2f: {  	v9 =	vsel vm8, $0x2303, v9;
	v10 =	vsel vm8, $0x3300, v10;
	v13 =	vsel vm8, $0x3303, v13  }
0x30: {  	v14 =	vsel vm8, $0x4300, v14;
	v15 =	vsel vm8, $0x4303, v15;
	v17 =	vsel vm8, $0x5300, v17  }
0x31: {  	v18 =	vsel vm8, $0x5303, v18;
	v19 =	vsel vm8, $0x6300, v19;
	v22 =	vsel vm8, $0x6303, v22  }
0x32: {  	v23 =	vsel vm8, $0x7300, v23;
	v24 =	vsel vm8, $0x7303, v24;
	v0 =	vsel vm7, $0x380, v0  }
0x33: {  	v4 =	vsel vm7, $0x383, v4;
	v5 =	vsel vm7, $0x1380, v5;
	v6 =	vsel vm7, $0x1383, v6  }
0x34: {  	v8 =	vsel vm7, $0x2380, v8;
	v9 =	vsel vm7, $0x2383, v9;
	v10 =	vsel vm7, $0x3380, v10  }
0x35: {  	v13 =	vsel vm7, $0x3383, v13;
	v14 =	vsel vm7, $0x4380, v14;
	v15 =	vsel vm7, $0x4383, v15  }
0x36: {  	v17 =	vsel vm7, $0x5380, v17;
	v18 =	vsel vm7, $0x5383, v18;
	v19 =	vsel vm7, $0x6380, v19  }
0x37: {  	v22 =	vsel vm7, $0x6383, v22;
	v23 =	vsel vm7, $0x7380, v23;
	v24 =	vsel vm7, $0x7383, v24  }
0x38: {  	v0 =	vsel vm6, $0x800, v0;
	v4 =	vsel vm6, $0x803, v4;
	v5 =	vsel vm6, $0x1800, v5  }
0x39: {  	v6 =	vsel vm6, $0x1803, v6;
	v8 =	vsel vm6, $0x2800, v8;
	v9 =	vsel vm6, $0x2803, v9  }
0x3a: {  	v10 =	vsel vm6, $0x3800, v10;
	v13 =	vsel vm6, $0x3803, v13;
	v14 =	vsel vm6, $0x4800, v14  }
0x3b: {  	v15 =	vsel vm6, $0x4803, v15;
	v17 =	vsel vm6, $0x5800, v17;
	v18 =	vsel vm6, $0x5803, v18  }
0x3c: {  	v19 =	vsel vm6, $0x6800, v19;
	v22 =	vsel vm6, $0x6803, v22;
	v23 =	vsel vm6, $0x7800, v23  }
0x3d: {  	v24 =	vsel vm6, $0x7803, v24;
	v0 =	vsel vm5, $0x880, v0;
	v4 =	vsel vm5, $0x883, v4  }
0x3e: {  	v5 =	vsel vm5, $0x1880, v5;
	v6 =	vsel vm5, $0x1883, v6;
	v8 =	vsel vm5, $0x2880, v8  }
0x3f: {  	v9 =	vsel vm5, $0x2883, v9;
	v10 =	vsel vm5, $0x3880, v10;
	v13 =	vsel vm5, $0x3883, v13  }
0x40: {  	v14 =	vsel vm5, $0x4880, v14;
	v15 =	vsel vm5, $0x4883, v15;
	v17 =	vsel vm5, $0x5880, v17  }
0x41: {  	v18 =	vsel vm5, $0x5883, v18;
	v19 =	vsel vm5, $0x6880, v19;
	v22 =	vsel vm5, $0x6883, v22  }
0x42: {  	v23 =	vsel vm5, $0x7880, v23;
	v24 =	vsel vm5, $0x7883, v24;
	v0 =	vsel vm4, $0x900, v0  }
0x43: {  	v4 =	vsel vm4, $0x903, v4;
	v5 =	vsel vm4, $0x1900, v5;
	v6 =	vsel vm4, $0x1903, v6  }
0x44: {  	v8 =	vsel vm4, $0x2900, v8;
	v9 =	vsel vm4, $0x2903, v9;
	v10 =	vsel vm4, $0x3900, v10  }
0x45: {  	v13 =	vsel vm4, $0x3903, v13;
	v14 =	vsel vm4, $0x4900, v14;
	v15 =	vsel vm4, $0x4903, v15  }
0x46: {  	v17 =	vsel vm4, $0x5900, v17;
	v18 =	vsel vm4, $0x5903, v18;
	v19 =	vsel vm4, $0x6900, v19  }
0x47: {  	v22 =	vsel vm4, $0x6903, v22;
	v23 =	vsel vm4, $0x7900, v23;
	v24 =	vsel vm4, $0x7903, v24  }
0x48: {  	v0 =	vsel vm3, $0x980, v0;
	v4 =	vsel vm3, $0x983, v4;
	v5 =	vsel vm3, $0x1980, v5  }
0x49: {  	v6 =	vsel vm3, $0x1983, v6;
	v8 =	vsel vm3, $0x2980, v8;
	v9 =	vsel vm3, $0x2983, v9  }
0x4a: {  	v10 =	vsel vm3, $0x3980, v10;
	v13 =	vsel vm3, $0x3983, v13;
	v14 =	vsel vm3, $0x4980, v14  }
0x4b: {  	v15 =	vsel vm3, $0x4983, v15;
	v17 =	vsel vm3, $0x5980, v17;
	v18 =	vsel vm3, $0x5983, v18  }
0x4c: {  	v19 =	vsel vm3, $0x6980, v19;
	v22 =	vsel vm3, $0x6983, v22;
	v23 =	vsel vm3, $0x7980, v23  }
0x4d: {  	v24 =	vsel vm3, $0x7983, v24;
	v0 =	vsel vm2, $0xA00, v0;
	v4 =	vsel vm2, $0xA03, v4  }
0x4e: {  	v5 =	vsel vm2, $0x1A00, v5;
	v7 =	vsel vm2, $0x1A03, v6;
	v6 =	vor.u32 $0x800, v2  }
0x4f: {  	v8 =	vsel vm2, $0x2A00, v8;
	v9 =	vsel vm2, $0x2A03, v9;
	v12 =	vsel vm2, $0x3A00, v10  }
0x50: {  	v13 =	vsel vm2, $0x3A03, v13;
	v14 =	vsel vm2, $0x4A00, v14;
	v16 =	vsel vm2, $0x4A03, v15  }
0x51: {  	v15 =	vor.u32 $0x2000, v2;
	v17 =	vsel vm2, $0x5A00, v17;
	v18 =	vsel vm2, $0x5A03, v18  }
0x52: {  	v21 =	vsel vm2, $0x6A00, v19;
	v22 =	vsel vm2, $0x6A03, v22;
	v23 =	vsel vm2, $0x7A00, v23  }
0x53: {  	v24 =	vsel vm2, $0x7A03, v24;
	v1 =	vsel vm1, $0xA80, v0;
	v0 =	vimm.f32 $0.0e+00  }
0x54: {  	v4 =	vsel vm1, $0xA83, v4;
	v5 =	vsel vm1, $0x1A80, v5;
	v7 =	vsel vm1, $0x1A83, v7  }
0x55: {  	v8 =	vsel vm1, $0x2A80, v8;
	v11 =	vsel vm1, $0x2A83, v9;
	v9 =	vor.u32 $0x1000, v2  }
0x56: {  	s3 =	rddreg [dreg:$0x0];
	v13 =	vsel vm1, $0x3A83, v13;
	v14 =	vsel vm1, $0x4A80, v14;
	v16 =	vsel vm1, $0x4A83, v16  }
0x57: {  	s0 =	rddreg [dreg:$0x1];
	s4 =	srdreg.scid;
	v17 =	vsel vm1, $0x5A80, v17;
	v20 =	vsel vm1, $0x5A83, v18;
	v18 =	vor.u32 $0x2800, v2  }
0x58: {  	s1 =	stileid.u32;
	s2 =	simm.s32 $0x0;
	s8 =	simm.s32 $0x8000;
	v22 =	vsel vm1, $0x6A83, v22;
	v23 =	vsel vm1, $0x7A80, v23;
	v25 =	vsel vm1, $0x7A83, v24  }
0x59: {  	s9 =	simm.s32 $0x10000;
	s10 =	simm.s32 $0x2;
	s11 =	simm.s32 $0x3;
	v24 =	vor.u32 $0x3800, v2;
	v1 =	vsel vm0, $0xB00, v1;
	v4 =	vsel vm0, $0xB03, v4  }
0x5a: {  	s4 =	sand.u32 $0x1, s4;
	s5 =	sshll.u32 s1, $0x1;
	[smem:$0x7FF] =	sst s2;
	v5 =	vsel vm0, $0x1B00, v5;
	v7 =	vsel vm0, $0x1B03, v7;
	v8 =	vsel vm0, $0x2B00, v8  }
0x5b: {  	s12 =	simm.s32 $0x0;
	s5 =	sor.u32 s4, s5;
	_ =	strace $0x80000047;
	v10 =	vsel vm0, $0x2B03, v11;
	v11 =	vsel vm1, $0x3A80, v12;
	v12 =	vor.u32 $0x1800, v2  }
0x5c: {  	s4 =	ssub.s32 $0x2, s4;
	s6 =	sshll.u32 s5, $0xD;
	s5 =	sshll.u32 s5, $0xC;
	v13 =	vsel vm0, $0x3B03, v13;
	v14 =	vsel vm0, $0x4B00, v14;
	v16 =	vsel vm0, $0x4B03, v16  }
0x5d: {  	s7 =	sshrl.u32 s4, $0x1;
	s6 =	sadd.s32 s6, s3;
	s5 =	sadd.s32 s5, s3;
	v17 =	vsel vm0, $0x5B00, v17;
	v19 =	vsel vm0, $0x5B03, v20;
	v20 =	vsel vm1, $0x6A80, v21  }
0x5e: {  	s7 =	ssub.s32 s4, s7;
	s3 =	sadd.s32 $0x40C00, s6;
	s4 =	sadd.s32 $0x41C00, s6;
	v21 =	vor.u32 $0x3000, v2;
	v22 =	vsel vm0, $0x6B03, v22;
	v23 =	vsel vm0, $0x7B00, v23  }
0x5f: {  	s5 =	sadd.s32 $0x80C00, s5;
	s6 =	smax.u32 s7, $0x1;
	s7 =	simm.s32 $0x1;
	v25 =	vsel vm0, $0x7B03, v25;
	v11 =	vsel vm0, $0x3B00, v11;
	v20 =	vsel vm0, $0x6B00, v20  }
.LBB2_1:
0x60: {  	[tilespmem:s2], [sflag:$0x1] =	stream.linear.gather [hbm4b:s3+s2], $0x8000, $0x38;
	[tilespmem:$0x18000] =	vst v63  }
0x61: {  	s13 =	simm.s32 $0x10040  }
0x62: {  	[tilespmem:s13+$0xFFFFFFC0] =	vst v0  }
0x63: {  	[tilespmem:s13+$0x30] =	vst v0  }
0x64: {  	[tilespmem:s13+$0x20] =	vst v0  }
0x65: {  	[tilespmem:s13+$0x10] =	vst v0  }
0x66: {  	[tilespmem:s13+$0x0] =	vst v0  }
0x67: {  	[tilespmem:s13+$0xFFFFFFF0] =	vst v0  }
0x68: {  	s14 =	simm.s32 $0x0;
	[tilespmem:s13+$0xFFFFFFE0] =	vst v0  }
.LBB2_2:
0x69: {  	s14 =	sadd.s32 $0x80, s14;
	[tilespmem:s13+$0xFFFFFFD0] =	vst v0;
	s13 =	sadd.s32 $0x80, s13  }
0x6a: {  	[tilespmem:s13+$0xFFFFFFC0] =	vst v0;
	p0 =	slt.u32 s14, $0x7F80  }
0x6b: {  	[tilespmem:s13+$0x30] =	vst v0  }
.Ltmp0:
0x6c: {  	[tilespmem:s13+$0x20] =	vst v0;
	(pc) =	sbr.rel @p0 .LBB2_2-.Ltmp0, $4  }
0x6d: {  	[tilespmem:s13+$0x10] =	vst v0  }
0x6e: {  	[tilespmem:s13+$0x0] =	vst v0  }
0x6f: {  	[tilespmem:s13+$0xFFFFFFF0] =	vst v0  }
0x70: {  	[tilespmem:s13+$0xFFFFFFE0] =	vst v0  }
0x71: {  	v29 =	vimm.s32 $0x0  }
0x72: {  	v30 =	vshll.u32 v29, $0x3  }
0x73: {  	v31 =	vand.u32 $0x78, v29;
	v30 =	vand.u32 $0xFFFFFC00, v30  }
0x74: {  	v30 =	vor.u32 v31, v30  }
0x75: {  	[tilespmem:s13+$0xFFFFFFD0] =	vst v0;
	v31 =	vadd.s32 v1, v30  }
0x76: {  	_ =	swait.ge [sflag:s7], $0x8000;
	v37 =	vadd.s32 v4, v30  }
0x77: {  	[sflag:s7] =	ssyncset.done $0x0;
	v32 =	vor.u32 $0x1, v31  }
0x78: {  	v29 =	vadd.s32 $0x8, v29;
	[sflag:s7] =	ssyncadd.s32 $0xFFFF8000;
	v33 =	vor.u32 $0x7, v31  }
0x79: {  	v39 =	vshll.u32 v29, $0x3;
	[tilespmem:s8], [sflag:$0x2] =	stream.linear.gather [hbm4b:s4+s2], $0x8000, $0x38;
	v34 =	vor.u32 $0x4, v31;
	[tilespmem:$0x18000] =	vst v63  }
0x7a: {  	v60 =	vand.u32 $0xFFFFFC00, v39;
	v36 =	vor.u32 $0x2, v31;
	v35 =	vld.idx.msk [tilespmem:v31+s2+$0x0], $0xffff  }
0x7b: {  	v59 =	vor.u32 $0x6, v31;
	v40 =	vor.u32 $0x5, v31;
	v31 =	vand.u32 $0x78, v29;
	v37 =	vld.idx.msk [tilespmem:v37+s2+$0x0], $0xffff  }
0x7c: {  	v38 =	vld.idx.msk [tilespmem:v32+s2+$0x0], $0xffff;
	v31 =	vor.u32 v31, v60  }
0x7d: {  	v41 =	vld.idx.msk [tilespmem:v33+s2+$0x0], $0xffff;
	v61 =	vadd.s32 v1, v31  }
0x7e: {  	v34 =	vld.idx.msk [tilespmem:v34+s2+$0x0], $0xffff;
	v44 =	vadd.s32 v4, v31  }
0x7f: {  	v45 =	vld.idx.msk [tilespmem:v36+s2+$0x0], $0xffff;
	v62 =	vor.u32 $0x1, v61  }
0x80: {  	v42 =	vld.idx.msk [tilespmem:v59+s2+$0x0], $0xffff;
	v43 =	vor.u32 $0x2, v61  }
0x81: {  	v46 =	vld.idx.msk [tilespmem:v40+s2+$0x0], $0xffff;
	v35 =	vadd.s32 v2, v35  }
0x82: {  	v63 =	vor.u32 $0x7, v61;
	v40 =	vld.idx.msk [tilespmem:v61+s2+$0x0], $0xffff  }
0x83: {  	v34 =	vadd.s32 v2, v34;
	v36 =	vld.idx.msk [tilespmem:v44+s2+$0x0], $0xffff  }
0x84: {  	v47 =	vor.u32 $0x5, v61;
	v32 =	vld.idx.msk [tilespmem:v62+s2+$0x0], $0xffff  }
0x85: {  	v48 =	vadd.s32 v2, v42;
	v33 =	vld.idx.msk [tilespmem:v43+s2+$0x0], $0xffff  }
0x86: {  	v42 =	vadd.s32 v2, v41;
	[tilespmem:v35+s9+$0x0] =	vst.idx.add.f32.msk $0xffff, v3  }
0x87: {  	v43 =	vor.u32 $0x4, v61;
	v35 =	vld.idx.msk [tilespmem:v63+s2+$0x0], $0xffff  }
0x88: {  	v45 =	vadd.s32 v2, v45;
	[tilespmem:v34+s9+$0x0] =	vst.idx.add.f32.msk $0xffff, v3  }
0x89: {  	v37 =	vadd.s32 v2, v37;
	v41 =	vadd.s32 v2, v38;
	v34 =	vld.idx.msk [tilespmem:v47+s2+$0x0], $0xffff  }
0x8a: {  	s13 =	simm.s32 $0x8;
	v39 =	vadd.s32 v2, v46;
	v38 =	vadd.s32 $0x8, v29;
	v44 =	vor.u32 $0x6, v61;
	[tilespmem:v48+s9+$0x0] =	vst.idx.add.f32.msk $0xffff, v3  }
.LBB2_4:
0x8b: {  	v46 =	vshll.u32 v38, $0x3;
	s13 =	sadd.s32 $0x8, s13;
	[tilespmem:v42+s9+$0x0] =	vst.idx.add.f32.msk $0xffff, v3  }
0x8c: {  	v42 =	vand.u32 $0x78, v38;
	v40 =	vadd.s32 v2, v40;
	v46 =	vand.u32 $0xFFFFFC00, v46;
	p0 =	slt.u32 s13, $0xC0;
	v47 =	vld.idx.msk [tilespmem:v43+s2+$0x0], $0xffff  }
0x8d: {  	v42 =	vor.u32 v42, v46;
	[tilespmem:v45+s9+$0x0] =	vst.idx.add.f32.msk $0xffff, v3  }
0x8e: {  	v45 =	vadd.s32 v1, v42;
	[tilespmem:v41+s9+$0x0] =	vst.idx.add.f32.msk $0xffff, v3  }
0x8f: {  	v46 =	vor.u32 $0x1, v45;
	v48 =	vor.u32 $0x7, v45;
	v49 =	vld.idx.msk [tilespmem:v44+s2+$0x0], $0xffff  }
0x90: {  	v50 =	vor.u32 $0x2, v45;
	[tilespmem:v37+s9+$0x0] =	vst.idx.add.f32.msk $0xffff, v3  }
0x91: {  	v51 =	vadd.s32 v4, v42;
	v42 =	vadd.s32 v2, v35;
	[tilespmem:v39+s9+$0x0] =	vst.idx.add.f32.msk $0xffff, v3  }
0x92: {  	v43 =	vor.u32 $0x4, v45;
	v47 =	vadd.s32 v2, v47;
	[tilespmem:v40+s9+$0x0] =	vst.idx.add.f32.msk $0xffff, v3  }
0x93: {  	v41 =	vadd.s32 v2, v32;
	v52 =	vor.u32 $0x5, v45;
	v37 =	vadd.s32 v2, v36;
	v40 =	vld.idx.msk [tilespmem:v45+s2+$0x0], $0xffff  }
0x94: {  	v44 =	vor.u32 $0x6, v45;
	v32 =	vld.idx.msk [tilespmem:v46+s2+$0x0], $0xffff  }
0x95: {  	v39 =	vadd.s32 v2, v34;
	v46 =	vadd.s32 v2, v49;
	v35 =	vld.idx.msk [tilespmem:v48+s2+$0x0], $0xffff  }
.Ltmp1:
0x96: {  	v45 =	vadd.s32 v2, v33;
	v33 =	vld.idx.msk [tilespmem:v50+s2+$0x0], $0xffff;
	(pc) =	sbr.rel @p0 .LBB2_4-.Ltmp1, $4  }
0x97: {  	[tilespmem:v47+s9+$0x0] =	vst.idx.add.f32.msk $0xffff, v3  }
0x98: {  	v36 =	vld.idx.msk [tilespmem:v51+s2+$0x0], $0xffff  }
0x99: {  	v34 =	vld.idx.msk [tilespmem:v52+s2+$0x0], $0xffff  }
0x9a: {  	v38 =	vadd.s32 $0x8, v38;
	[tilespmem:v46+s9+$0x0] =	vst.idx.add.f32.msk $0xffff, v3  }
0x9b: {  	_ =	sdelay $0x3  }
0x9c: {  	v38 =	vld.idx.msk [tilespmem:v43+s2+$0x0], $0xffff  }
0x9d: {  	v49 =	vld.idx.msk [tilespmem:v44+s2+$0x0], $0xffff  }
0x9e: {  	[tilespmem:v42+s9+$0x0] =	vst.idx.add.f32.msk $0xffff, v3;
	v40 =	vadd.s32 v2, v40  }
0x9f: {  	[tilespmem:v45+s9+$0x0] =	vst.idx.add.f32.msk $0xffff, v3;
	v35 =	vadd.s32 v2, v35  }
0xa0: {  	[tilespmem:v41+s9+$0x0] =	vst.idx.add.f32.msk $0xffff, v3;
	v33 =	vadd.s32 v2, v33  }
0xa1: {  	[tilespmem:v37+s9+$0x0] =	vst.idx.add.f32.msk $0xffff, v3;
	v32 =	vadd.s32 v2, v32  }
0xa2: {  	[tilespmem:v39+s9+$0x0] =	vst.idx.add.f32.msk $0xffff, v3;
	v36 =	vadd.s32 v2, v36  }
0xa3: {  	v34 =	vadd.s32 v2, v34;
	[tilespmem:v40+s9+$0x0] =	vst.idx.add.f32.msk $0xffff, v3  }
0xa4: {  	v38 =	vadd.s32 v2, v38;
	[tilespmem:v35+s9+$0x0] =	vst.idx.add.f32.msk $0xffff, v3  }
0xa5: {  	v50 =	vadd.s32 v2, v49;
	[tilespmem:v33+s9+$0x0] =	vst.idx.add.f32.msk $0xffff, v3  }
0xa6: {  	v51 =	vadd.s32 v5, v30;
	[tilespmem:v32+s9+$0x0] =	vst.idx.add.f32.msk $0xffff, v3  }
0xa7: {  	v52 =	vor.u32 $0x1, v51;
	[tilespmem:v36+s9+$0x0] =	vst.idx.add.f32.msk $0xffff, v3  }
0xa8: {  	v53 =	vor.u32 $0x7, v51;
	[tilespmem:v34+s9+$0x0] =	vst.idx.add.f32.msk $0xffff, v3  }
0xa9: {  	v54 =	vor.u32 $0x4, v51;
	[tilespmem:v38+s9+$0x0] =	vst.idx.add.f32.msk $0xffff, v3  }
0xaa: {  	v55 =	vor.u32 $0x2, v51;
	[tilespmem:v50+s9+$0x0] =	vst.idx.add.f32.msk $0xffff, v3  }
0xab: {  	v30 =	vadd.s32 v7, v30;
	v36 =	vld.idx.msk [tilespmem:v51+s2+$0x0], $0xffff  }
0xac: {  	v56 =	vor.u32 $0x6, v51;
	v32 =	vld.idx.msk [tilespmem:v52+s2+$0x0], $0xffff  }
0xad: {  	v35 =	vor.u32 $0x5, v51;
	v33 =	vld.idx.msk [tilespmem:v53+s2+$0x0], $0xffff  }
0xae: {  	v57 =	vadd.s32 v5, v31;
	v34 =	vld.idx.msk [tilespmem:v54+s2+$0x0], $0xffff  }
0xaf: {  	v61 =	vor.u32 $0x2, v57;
	v42 =	vld.idx.msk [tilespmem:v55+s2+$0x0], $0xffff  }
0xb0: {  	v58 =	vld.idx.msk [tilespmem:v30+s2+$0x0], $0xffff;
	v30 =	vor.u32 $0x1, v57  }
0xb1: {  	v59 =	vor.u32 $0x7, v57;
	v38 =	vld.idx.msk [tilespmem:v56+s2+$0x0], $0xffff  }
0xb2: {  	v63 =	vadd.s32 v7, v31;
	v60 =	vld.idx.msk [tilespmem:v35+s2+$0x0], $0xffff  }
0xb3: {  	v46 =	vor.u32 $0x5, v57;
	v37 =	vld.idx.msk [tilespmem:v57+s2+$0x0], $0xffff  }
0xb4: {  	v31 =	vld.idx.msk [tilespmem:v61+s2+$0x0], $0xffff;
	v36 =	vadd.s32 v6, v36  }
0xb5: {  	v62 =	vadd.s32 v6, v34;
	v30 =	vld.idx.msk [tilespmem:v30+s2+$0x0], $0xffff  }
0xb6: {  	v34 =	vld.idx.msk [tilespmem:v59+s2+$0x0], $0xffff;
	v47 =	vadd.s32 v6, v38  }
0xb7: {  	v39 =	vadd.s32 v6, v33;
	v33 =	vld.idx.msk [tilespmem:v63+s2+$0x0], $0xffff  }
0xb8: {  	v40 =	vor.u32 $0x4, v57;
	v38 =	vadd.s32 v6, v32;
	v32 =	vld.idx.msk [tilespmem:v46+s2+$0x0], $0xffff  }
0xb9: {  	v42 =	vadd.s32 v6, v42;
	[tilespmem:v36+s9+$0x0] =	vst.idx.add.f32.msk $0xffff, v3  }
0xba: {  	v29 =	vadd.s32 $0x8, v29;
	[tilespmem:v62+s9+$0x0] =	vst.idx.add.f32.msk $0xffff, v3  }
0xbb: {  	s13 =	simm.s32 $0x8;
	v41 =	vor.u32 $0x6, v57;
	v35 =	vadd.s32 v6, v58;
	v36 =	vadd.s32 v6, v60;
	[tilespmem:v47+s9+$0x0] =	vst.idx.add.f32.msk $0xffff, v3  }
.LBB2_6:
0xbc: {  	v43 =	vshll.u32 v29, $0x3;
	s13 =	sadd.s32 $0x8, s13;
	[tilespmem:v39+s9+$0x0] =	vst.idx.add.f32.msk $0xffff, v3  }
0xbd: {  	v39 =	vand.u32 $0x78, v29;
	v37 =	vadd.s32 v6, v37;
	v43 =	vand.u32 $0xFFFFFC00, v43;
	p0 =	slt.u32 s13, $0xC0;
	v44 =	vld.idx.msk [tilespmem:v40+s2+$0x0], $0xffff  }
0xbe: {  	v39 =	vor.u32 v39, v43;
	[tilespmem:v42+s9+$0x0] =	vst.idx.add.f32.msk $0xffff, v3  }
0xbf: {  	v42 =	vadd.s32 v5, v39;
	[tilespmem:v38+s9+$0x0] =	vst.idx.add.f32.msk $0xffff, v3  }
0xc0: {  	v43 =	vor.u32 $0x1, v42;
	v45 =	vor.u32 $0x7, v42;
	v46 =	vld.idx.msk [tilespmem:v41+s2+$0x0], $0xffff  }
0xc1: {  	v47 =	vor.u32 $0x2, v42;
	[tilespmem:v35+s9+$0x0] =	vst.idx.add.f32.msk $0xffff, v3  }
0xc2: {  	v48 =	vadd.s32 v7, v39;
	v39 =	vadd.s32 v6, v34;
	[tilespmem:v36+s9+$0x0] =	vst.idx.add.f32.msk $0xffff, v3  }
0xc3: {  	v40 =	vor.u32 $0x4, v42;
	v44 =	vadd.s32 v6, v44;
	[tilespmem:v37+s9+$0x0] =	vst.idx.add.f32.msk $0xffff, v3  }
0xc4: {  	v38 =	vadd.s32 v6, v30;
	v49 =	vor.u32 $0x5, v42;
	v35 =	vadd.s32 v6, v33;
	v37 =	vld.idx.msk [tilespmem:v42+s2+$0x0], $0xffff  }
0xc5: {  	v41 =	vor.u32 $0x6, v42;
	v30 =	vld.idx.msk [tilespmem:v43+s2+$0x0], $0xffff  }
0xc6: {  	v36 =	vadd.s32 v6, v32;
	v43 =	vadd.s32 v6, v46;
	v34 =	vld.idx.msk [tilespmem:v45+s2+$0x0], $0xffff  }
.Ltmp2:
0xc7: {  	v42 =	vadd.s32 v6, v31;
	v31 =	vld.idx.msk [tilespmem:v47+s2+$0x0], $0xffff;
	(pc) =	sbr.rel @p0 .LBB2_6-.Ltmp2, $4  }
0xc8: {  	[tilespmem:v44+s9+$0x0] =	vst.idx.add.f32.msk $0xffff, v3  }
0xc9: {  	v33 =	vld.idx.msk [tilespmem:v48+s2+$0x0], $0xffff  }
0xca: {  	v32 =	vld.idx.msk [tilespmem:v49+s2+$0x0], $0xffff  }
0xcb: {  	v29 =	vadd.s32 $0x8, v29;
	[tilespmem:v43+s9+$0x0] =	vst.idx.add.f32.msk $0xffff, v3  }
0xcc: {  	_ =	sdelay $0x3  }
0xcd: {  	v29 =	vld.idx.msk [tilespmem:v40+s2+$0x0], $0xffff;
	_ =	sdelay $0x2  }
0xce: {  	v47 =	vld.idx.msk [tilespmem:v41+s2+$0x0], $0xffff  }
0xcf: {  	[tilespmem:v39+s9+$0x0] =	vst.idx.add.f32.msk $0xffff, v3;
	v37 =	vadd.s32 v6, v37  }
0xd0: {  	[tilespmem:v42+s9+$0x0] =	vst.idx.add.f32.msk $0xffff, v3;
	v29 =	vadd.s32 v6, v29  }
0xd1: {  	[tilespmem:v38+s9+$0x0] =	vst.idx.add.f32.msk $0xffff, v3;
	v34 =	vadd.s32 v6, v34  }
0xd2: {  	[tilespmem:v35+s9+$0x0] =	vst.idx.add.f32.msk $0xffff, v3;
	v31 =	vadd.s32 v6, v31  }
0xd3: {  	[tilespmem:v36+s9+$0x0] =	vst.idx.add.f32.msk $0xffff, v3;
	v49 =	vimm.s32 $0x0;
	v50 =	vadd.s32 v6, v30  }
0xd4: {  	v30 =	vshll.u32 v49, $0x3;
	v33 =	vadd.s32 v6, v33;
	[tilespmem:v37+s9+$0x0] =	vst.idx.add.f32.msk $0xffff, v3  }
0xd5: {  	v30 =	vand.u32 $0xFFFFFC00, v30;
	v32 =	vadd.s32 v6, v32;
	[tilespmem:v29+s9+$0x0] =	vst.idx.add.f32.msk $0xffff, v3;
	v29 =	vand.u32 $0x78, v49  }
0xd6: {  	v48 =	vadd.s32 v6, v47;
	[tilespmem:v34+s9+$0x0] =	vst.idx.add.f32.msk $0xffff, v3;
	v30 =	vor.u32 v29, v30  }
0xd7: {  	[tilespmem:v31+s9+$0x0] =	vst.idx.add.f32.msk $0xffff, v3;
	v51 =	vadd.s32 v8, v30  }
0xd8: {  	[tilespmem:v50+s9+$0x0] =	vst.idx.add.f32.msk $0xffff, v3;
	v31 =	vor.u32 $0x1, v51  }
0xd9: {  	[tilespmem:v33+s9+$0x0] =	vst.idx.add.f32.msk $0xffff, v3  }
0xda: {  	[tilespmem:v32+s9+$0x0] =	vst.idx.add.f32.msk $0xffff, v3;
	v55 =	vadd.s32 v10, v30  }
0xdb: {  	[tilespmem:v48+s9+$0x0] =	vst.idx.add.f32.msk $0xffff, v3;
	v52 =	vor.u32 $0x7, v51  }
0xdc: {  	v29 =	vadd.s32 $0x8, v49;
	v53 =	vor.u32 $0x4, v51;
	v36 =	vld.idx.msk [tilespmem:v51+s2+$0x0], $0xffff  }
0xdd: {  	v54 =	vor.u32 $0x2, v51;
	v39 =	vld.idx.msk [tilespmem:v31+s2+$0x0], $0xffff;
	v31 =	vshll.u32 v29, $0x3  }
0xde: {  	v58 =	vand.u32 $0x78, v29;
	v56 =	vor.u32 $0x6, v51;
	v31 =	vand.u32 $0xFFFFFC00, v31  }
0xdf: {  	v34 =	vor.u32 $0x5, v51;
	v59 =	vld.idx.msk [tilespmem:v55+s2+$0x0], $0xffff;
	v31 =	vor.u32 v58, v31  }
0xe0: {  	v57 =	vld.idx.msk [tilespmem:v52+s2+$0x0], $0xffff;
	v44 =	vadd.s32 v8, v31  }
0xe1: {  	v33 =	vld.idx.msk [tilespmem:v53+s2+$0x0], $0xffff;
	v36 =	vadd.s32 v9, v36  }
0xe2: {  	v45 =	vld.idx.msk [tilespmem:v54+s2+$0x0], $0xffff;
	v60 =	vor.u32 $0x1, v44  }
0xe3: {  	v42 =	vld.idx.msk [tilespmem:v56+s2+$0x0], $0xffff;
	v61 =	vor.u32 $0x7, v44  }
0xe4: {  	v46 =	vld.idx.msk [tilespmem:v34+s2+$0x0], $0xffff;
	v62 =	vor.u32 $0x2, v44  }
0xe5: {  	v47 =	vadd.s32 v10, v31;
	v40 =	vld.idx.msk [tilespmem:v44+s2+$0x0], $0xffff  }
0xe6: {  	v48 =	vor.u32 $0x5, v44;
	[tilespmem:v36+s9+$0x0] =	vst.idx.add.f32.msk $0xffff, v3  }
0xe7: {  	v63 =	vadd.s32 v9, v33;
	v32 =	vld.idx.msk [tilespmem:v60+s2+$0x0], $0xffff  }
0xe8: {  	v49 =	vadd.s32 v9, v42;
	v35 =	vld.idx.msk [tilespmem:v61+s2+$0x0], $0xffff  }
0xe9: {  	v42 =	vadd.s32 v9, v57;
	v33 =	vld.idx.msk [tilespmem:v62+s2+$0x0], $0xffff  }
0xea: {  	v43 =	vor.u32 $0x4, v44;
	v36 =	vld.idx.msk [tilespmem:v47+s2+$0x0], $0xffff  }
0xeb: {  	v45 =	vadd.s32 v9, v45;
	v34 =	vld.idx.msk [tilespmem:v48+s2+$0x0], $0xffff  }
0xec: {  	v38 =	vadd.s32 $0x8, v29;
	v41 =	vadd.s32 v9, v39;
	[tilespmem:v63+s9+$0x0] =	vst.idx.add.f32.msk $0xffff, v3  }
0xed: {  	s13 =	simm.s32 $0x8;
	v37 =	vadd.s32 v9, v59;
	v39 =	vadd.s32 v9, v46;
	v44 =	vor.u32 $0x6, v44;
	[tilespmem:v49+s9+$0x0] =	vst.idx.add.f32.msk $0xffff, v3  }
.LBB2_8:
0xee: {  	v46 =	vshll.u32 v38, $0x3;
	s13 =	sadd.s32 $0x8, s13;
	[tilespmem:v42+s9+$0x0] =	vst.idx.add.f32.msk $0xffff, v3  }
0xef: {  	v42 =	vand.u32 $0x78, v38;
	v40 =	vadd.s32 v9, v40;
	v46 =	vand.u32 $0xFFFFFC00, v46;
	p0 =	slt.u32 s13, $0xC0;
	v47 =	vld.idx.msk [tilespmem:v43+s2+$0x0], $0xffff  }
0xf0: {  	v42 =	vor.u32 v42, v46;
	[tilespmem:v45+s9+$0x0] =	vst.idx.add.f32.msk $0xffff, v3  }
0xf1: {  	v45 =	vadd.s32 v8, v42;
	[tilespmem:v41+s9+$0x0] =	vst.idx.add.f32.msk $0xffff, v3  }
0xf2: {  	v46 =	vor.u32 $0x1, v45;
	v48 =	vor.u32 $0x7, v45;
	v49 =	vld.idx.msk [tilespmem:v44+s2+$0x0], $0xffff  }
0xf3: {  	v50 =	vor.u32 $0x2, v45;
	[tilespmem:v37+s9+$0x0] =	vst.idx.add.f32.msk $0xffff, v3  }
0xf4: {  	v51 =	vadd.s32 v10, v42;
	v42 =	vadd.s32 v9, v35;
	[tilespmem:v39+s9+$0x0] =	vst.idx.add.f32.msk $0xffff, v3  }
0xf5: {  	v43 =	vor.u32 $0x4, v45;
	v47 =	vadd.s32 v9, v47;
	[tilespmem:v40+s9+$0x0] =	vst.idx.add.f32.msk $0xffff, v3  }
0xf6: {  	v41 =	vadd.s32 v9, v32;
	v52 =	vor.u32 $0x5, v45;
	v37 =	vadd.s32 v9, v36;
	v40 =	vld.idx.msk [tilespmem:v45+s2+$0x0], $0xffff  }
0xf7: {  	v44 =	vor.u32 $0x6, v45;
	v32 =	vld.idx.msk [tilespmem:v46+s2+$0x0], $0xffff  }
0xf8: {  	v39 =	vadd.s32 v9, v34;
	v46 =	vadd.s32 v9, v49;
	v35 =	vld.idx.msk [tilespmem:v48+s2+$0x0], $0xffff  }
.Ltmp3:
0xf9: {  	v45 =	vadd.s32 v9, v33;
	v33 =	vld.idx.msk [tilespmem:v50+s2+$0x0], $0xffff;
	(pc) =	sbr.rel @p0 .LBB2_8-.Ltmp3, $4  }
0xfa: {  	[tilespmem:v47+s9+$0x0] =	vst.idx.add.f32.msk $0xffff, v3  }
0xfb: {  	v36 =	vld.idx.msk [tilespmem:v51+s2+$0x0], $0xffff  }
0xfc: {  	v34 =	vld.idx.msk [tilespmem:v52+s2+$0x0], $0xffff  }
0xfd: {  	v38 =	vadd.s32 $0x8, v38;
	[tilespmem:v46+s9+$0x0] =	vst.idx.add.f32.msk $0xffff, v3  }
0xfe: {  	_ =	sdelay $0x3  }
0xff: {  	v38 =	vld.idx.msk [tilespmem:v43+s2+$0x0], $0xffff  }
0x100: {  	v49 =	vld.idx.msk [tilespmem:v44+s2+$0x0], $0xffff  }
0x101: {  	[tilespmem:v42+s9+$0x0] =	vst.idx.add.f32.msk $0xffff, v3;
	v40 =	vadd.s32 v9, v40  }
0x102: {  	[tilespmem:v45+s9+$0x0] =	vst.idx.add.f32.msk $0xffff, v3;
	v35 =	vadd.s32 v9, v35  }
0x103: {  	[tilespmem:v41+s9+$0x0] =	vst.idx.add.f32.msk $0xffff, v3;
	v33 =	vadd.s32 v9, v33  }
0x104: {  	[tilespmem:v37+s9+$0x0] =	vst.idx.add.f32.msk $0xffff, v3;
	v32 =	vadd.s32 v9, v32  }
0x105: {  	[tilespmem:v39+s9+$0x0] =	vst.idx.add.f32.msk $0xffff, v3;
	v36 =	vadd.s32 v9, v36  }
0x106: {  	v34 =	vadd.s32 v9, v34;
	[tilespmem:v40+s9+$0x0] =	vst.idx.add.f32.msk $0xffff, v3  }
0x107: {  	v38 =	vadd.s32 v9, v38;
	[tilespmem:v35+s9+$0x0] =	vst.idx.add.f32.msk $0xffff, v3  }
0x108: {  	v50 =	vadd.s32 v9, v49;
	[tilespmem:v33+s9+$0x0] =	vst.idx.add.f32.msk $0xffff, v3  }
0x109: {  	v51 =	vadd.s32 v11, v30;
	[tilespmem:v32+s9+$0x0] =	vst.idx.add.f32.msk $0xffff, v3  }
0x10a: {  	v52 =	vor.u32 $0x1, v51;
	[tilespmem:v36+s9+$0x0] =	vst.idx.add.f32.msk $0xffff, v3  }
0x10b: {  	v53 =	vor.u32 $0x7, v51;
	[tilespmem:v34+s9+$0x0] =	vst.idx.add.f32.msk $0xffff, v3  }
0x10c: {  	v54 =	vor.u32 $0x4, v51;
	[tilespmem:v38+s9+$0x0] =	vst.idx.add.f32.msk $0xffff, v3  }
0x10d: {  	v55 =	vor.u32 $0x2, v51;
	[tilespmem:v50+s9+$0x0] =	vst.idx.add.f32.msk $0xffff, v3  }
0x10e: {  	v30 =	vadd.s32 v13, v30;
	v36 =	vld.idx.msk [tilespmem:v51+s2+$0x0], $0xffff  }
0x10f: {  	v56 =	vor.u32 $0x6, v51;
	v32 =	vld.idx.msk [tilespmem:v52+s2+$0x0], $0xffff  }
0x110: {  	v35 =	vor.u32 $0x5, v51;
	v33 =	vld.idx.msk [tilespmem:v53+s2+$0x0], $0xffff  }
0x111: {  	v57 =	vadd.s32 v11, v31;
	v34 =	vld.idx.msk [tilespmem:v54+s2+$0x0], $0xffff  }
0x112: {  	v61 =	vor.u32 $0x2, v57;
	v42 =	vld.idx.msk [tilespmem:v55+s2+$0x0], $0xffff  }
0x113: {  	v58 =	vld.idx.msk [tilespmem:v30+s2+$0x0], $0xffff;
	v30 =	vor.u32 $0x1, v57  }
0x114: {  	v59 =	vor.u32 $0x7, v57;
	v38 =	vld.idx.msk [tilespmem:v56+s2+$0x0], $0xffff  }
0x115: {  	v63 =	vadd.s32 v13, v31;
	v60 =	vld.idx.msk [tilespmem:v35+s2+$0x0], $0xffff  }
0x116: {  	v46 =	vor.u32 $0x5, v57;
	v37 =	vld.idx.msk [tilespmem:v57+s2+$0x0], $0xffff  }
0x117: {  	v31 =	vld.idx.msk [tilespmem:v61+s2+$0x0], $0xffff;
	v36 =	vadd.s32 v12, v36  }
0x118: {  	v62 =	vadd.s32 v12, v34;
	v30 =	vld.idx.msk [tilespmem:v30+s2+$0x0], $0xffff  }
0x119: {  	v34 =	vld.idx.msk [tilespmem:v59+s2+$0x0], $0xffff;
	v47 =	vadd.s32 v12, v38  }
0x11a: {  	v39 =	vadd.s32 v12, v33;
	v33 =	vld.idx.msk [tilespmem:v63+s2+$0x0], $0xffff  }
0x11b: {  	v40 =	vor.u32 $0x4, v57;
	v38 =	vadd.s32 v12, v32;
	v32 =	vld.idx.msk [tilespmem:v46+s2+$0x0], $0xffff  }
0x11c: {  	v42 =	vadd.s32 v12, v42;
	[tilespmem:v36+s9+$0x0] =	vst.idx.add.f32.msk $0xffff, v3  }
0x11d: {  	v29 =	vadd.s32 $0x8, v29;
	[tilespmem:v62+s9+$0x0] =	vst.idx.add.f32.msk $0xffff, v3  }
0x11e: {  	s13 =	simm.s32 $0x8;
	v41 =	vor.u32 $0x6, v57;
	v35 =	vadd.s32 v12, v58;
	v36 =	vadd.s32 v12, v60;
	[tilespmem:v47+s9+$0x0] =	vst.idx.add.f32.msk $0xffff, v3  }
.LBB2_10:
0x11f: {  	v43 =	vshll.u32 v29, $0x3;
	s13 =	sadd.s32 $0x8, s13;
	[tilespmem:v39+s9+$0x0] =	vst.idx.add.f32.msk $0xffff, v3  }
0x120: {  	v39 =	vand.u32 $0x78, v29;
	v37 =	vadd.s32 v12, v37;
	v43 =	vand.u32 $0xFFFFFC00, v43;
	p0 =	slt.u32 s13, $0xC0;
	v44 =	vld.idx.msk [tilespmem:v40+s2+$0x0], $0xffff  }
0x121: {  	v39 =	vor.u32 v39, v43;
	[tilespmem:v42+s9+$0x0] =	vst.idx.add.f32.msk $0xffff, v3  }
0x122: {  	v42 =	vadd.s32 v11, v39;
	[tilespmem:v38+s9+$0x0] =	vst.idx.add.f32.msk $0xffff, v3  }
0x123: {  	v43 =	vor.u32 $0x1, v42;
	v45 =	vor.u32 $0x7, v42;
	v46 =	vld.idx.msk [tilespmem:v41+s2+$0x0], $0xffff  }
0x124: {  	v47 =	vor.u32 $0x2, v42;
	[tilespmem:v35+s9+$0x0] =	vst.idx.add.f32.msk $0xffff, v3  }
0x125: {  	v48 =	vadd.s32 v13, v39;
	v39 =	vadd.s32 v12, v34;
	[tilespmem:v36+s9+$0x0] =	vst.idx.add.f32.msk $0xffff, v3  }
0x126: {  	v40 =	vor.u32 $0x4, v42;
	v44 =	vadd.s32 v12, v44;
	[tilespmem:v37+s9+$0x0] =	vst.idx.add.f32.msk $0xffff, v3  }
0x127: {  	v38 =	vadd.s32 v12, v30;
	v49 =	vor.u32 $0x5, v42;
	v35 =	vadd.s32 v12, v33;
	v37 =	vld.idx.msk [tilespmem:v42+s2+$0x0], $0xffff  }
0x128: {  	v41 =	vor.u32 $0x6, v42;
	v30 =	vld.idx.msk [tilespmem:v43+s2+$0x0], $0xffff  }
0x129: {  	v36 =	vadd.s32 v12, v32;
	v43 =	vadd.s32 v12, v46;
	v34 =	vld.idx.msk [tilespmem:v45+s2+$0x0], $0xffff  }
.Ltmp4:
0x12a: {  	v42 =	vadd.s32 v12, v31;
	v31 =	vld.idx.msk [tilespmem:v47+s2+$0x0], $0xffff;
	(pc) =	sbr.rel @p0 .LBB2_10-.Ltmp4, $4  }
0x12b: {  	[tilespmem:v44+s9+$0x0] =	vst.idx.add.f32.msk $0xffff, v3  }
0x12c: {  	v33 =	vld.idx.msk [tilespmem:v48+s2+$0x0], $0xffff  }
0x12d: {  	v32 =	vld.idx.msk [tilespmem:v49+s2+$0x0], $0xffff  }
0x12e: {  	v29 =	vadd.s32 $0x8, v29;
	[tilespmem:v43+s9+$0x0] =	vst.idx.add.f32.msk $0xffff, v3  }
0x12f: {  	_ =	sdelay $0x3  }
0x130: {  	v29 =	vld.idx.msk [tilespmem:v40+s2+$0x0], $0xffff;
	_ =	sdelay $0x2  }
0x131: {  	v47 =	vld.idx.msk [tilespmem:v41+s2+$0x0], $0xffff  }
0x132: {  	[tilespmem:v39+s9+$0x0] =	vst.idx.add.f32.msk $0xffff, v3;
	v37 =	vadd.s32 v12, v37  }
0x133: {  	[tilespmem:v42+s9+$0x0] =	vst.idx.add.f32.msk $0xffff, v3;
	v29 =	vadd.s32 v12, v29  }
0x134: {  	[tilespmem:v38+s9+$0x0] =	vst.idx.add.f32.msk $0xffff, v3;
	v34 =	vadd.s32 v12, v34  }
0x135: {  	[tilespmem:v35+s9+$0x0] =	vst.idx.add.f32.msk $0xffff, v3;
	v31 =	vadd.s32 v12, v31  }
0x136: {  	[tilespmem:v36+s9+$0x0] =	vst.idx.add.f32.msk $0xffff, v3;
	v49 =	vimm.s32 $0x0;
	v50 =	vadd.s32 v12, v30  }
0x137: {  	v30 =	vshll.u32 v49, $0x3;
	v33 =	vadd.s32 v12, v33;
	[tilespmem:v37+s9+$0x0] =	vst.idx.add.f32.msk $0xffff, v3  }
0x138: {  	v30 =	vand.u32 $0xFFFFFC00, v30;
	v32 =	vadd.s32 v12, v32;
	[tilespmem:v29+s9+$0x0] =	vst.idx.add.f32.msk $0xffff, v3;
	v29 =	vand.u32 $0x78, v49  }
0x139: {  	v48 =	vadd.s32 v12, v47;
	[tilespmem:v34+s9+$0x0] =	vst.idx.add.f32.msk $0xffff, v3;
	v30 =	vor.u32 v29, v30  }
0x13a: {  	[tilespmem:v31+s9+$0x0] =	vst.idx.add.f32.msk $0xffff, v3;
	v51 =	vadd.s32 v14, v30  }
0x13b: {  	[tilespmem:v50+s9+$0x0] =	vst.idx.add.f32.msk $0xffff, v3;
	v31 =	vor.u32 $0x1, v51  }
0x13c: {  	[tilespmem:v33+s9+$0x0] =	vst.idx.add.f32.msk $0xffff, v3  }
0x13d: {  	[tilespmem:v32+s9+$0x0] =	vst.idx.add.f32.msk $0xffff, v3;
	v55 =	vadd.s32 v16, v30  }
0x13e: {  	[tilespmem:v48+s9+$0x0] =	vst.idx.add.f32.msk $0xffff, v3;
	v52 =	vor.u32 $0x7, v51  }
0x13f: {  	v29 =	vadd.s32 $0x8, v49;
	v53 =	vor.u32 $0x4, v51;
	v36 =	vld.idx.msk [tilespmem:v51+s2+$0x0], $0xffff  }
0x140: {  	v54 =	vor.u32 $0x2, v51;
	v39 =	vld.idx.msk [tilespmem:v31+s2+$0x0], $0xffff;
	v31 =	vshll.u32 v29, $0x3  }
0x141: {  	v58 =	vand.u32 $0x78, v29;
	v56 =	vor.u32 $0x6, v51;
	v31 =	vand.u32 $0xFFFFFC00, v31  }
0x142: {  	v34 =	vor.u32 $0x5, v51;
	v59 =	vld.idx.msk [tilespmem:v55+s2+$0x0], $0xffff;
	v31 =	vor.u32 v58, v31  }
0x143: {  	v57 =	vld.idx.msk [tilespmem:v52+s2+$0x0], $0xffff;
	v44 =	vadd.s32 v14, v31  }
0x144: {  	v33 =	vld.idx.msk [tilespmem:v53+s2+$0x0], $0xffff;
	v36 =	vadd.s32 v15, v36  }
0x145: {  	v45 =	vld.idx.msk [tilespmem:v54+s2+$0x0], $0xffff;
	v60 =	vor.u32 $0x1, v44  }
0x146: {  	v42 =	vld.idx.msk [tilespmem:v56+s2+$0x0], $0xffff;
	v61 =	vor.u32 $0x7, v44  }
0x147: {  	v46 =	vld.idx.msk [tilespmem:v34+s2+$0x0], $0xffff;
	v62 =	vor.u32 $0x2, v44  }
0x148: {  	v47 =	vadd.s32 v16, v31;
	v40 =	vld.idx.msk [tilespmem:v44+s2+$0x0], $0xffff  }
0x149: {  	v48 =	vor.u32 $0x5, v44;
	[tilespmem:v36+s9+$0x0] =	vst.idx.add.f32.msk $0xffff, v3  }
0x14a: {  	v63 =	vadd.s32 v15, v33;
	v32 =	vld.idx.msk [tilespmem:v60+s2+$0x0], $0xffff  }
0x14b: {  	v49 =	vadd.s32 v15, v42;
	v35 =	vld.idx.msk [tilespmem:v61+s2+$0x0], $0xffff  }
0x14c: {  	v42 =	vadd.s32 v15, v57;
	v33 =	vld.idx.msk [tilespmem:v62+s2+$0x0], $0xffff  }
0x14d: {  	v43 =	vor.u32 $0x4, v44;
	v36 =	vld.idx.msk [tilespmem:v47+s2+$0x0], $0xffff  }
0x14e: {  	v45 =	vadd.s32 v15, v45;
	v34 =	vld.idx.msk [tilespmem:v48+s2+$0x0], $0xffff  }
0x14f: {  	v38 =	vadd.s32 $0x8, v29;
	v41 =	vadd.s32 v15, v39;
	[tilespmem:v63+s9+$0x0] =	vst.idx.add.f32.msk $0xffff, v3  }
0x150: {  	s13 =	simm.s32 $0x8;
	v37 =	vadd.s32 v15, v59;
	v39 =	vadd.s32 v15, v46;
	v44 =	vor.u32 $0x6, v44;
	[tilespmem:v49+s9+$0x0] =	vst.idx.add.f32.msk $0xffff, v3  }
.LBB2_12:
0x151: {  	v46 =	vshll.u32 v38, $0x3;
	s13 =	sadd.s32 $0x8, s13;
	[tilespmem:v42+s9+$0x0] =	vst.idx.add.f32.msk $0xffff, v3  }
0x152: {  	v42 =	vand.u32 $0x78, v38;
	v40 =	vadd.s32 v15, v40;
	v46 =	vand.u32 $0xFFFFFC00, v46;
	p0 =	slt.u32 s13, $0xC0;
	v47 =	vld.idx.msk [tilespmem:v43+s2+$0x0], $0xffff  }
0x153: {  	v42 =	vor.u32 v42, v46;
	[tilespmem:v45+s9+$0x0] =	vst.idx.add.f32.msk $0xffff, v3  }
0x154: {  	v45 =	vadd.s32 v14, v42;
	[tilespmem:v41+s9+$0x0] =	vst.idx.add.f32.msk $0xffff, v3  }
0x155: {  	v46 =	vor.u32 $0x1, v45;
	v48 =	vor.u32 $0x7, v45;
	v49 =	vld.idx.msk [tilespmem:v44+s2+$0x0], $0xffff  }
0x156: {  	v50 =	vor.u32 $0x2, v45;
	[tilespmem:v37+s9+$0x0] =	vst.idx.add.f32.msk $0xffff, v3  }
0x157: {  	v51 =	vadd.s32 v16, v42;
	v42 =	vadd.s32 v15, v35;
	[tilespmem:v39+s9+$0x0] =	vst.idx.add.f32.msk $0xffff, v3  }
0x158: {  	v43 =	vor.u32 $0x4, v45;
	v47 =	vadd.s32 v15, v47;
	[tilespmem:v40+s9+$0x0] =	vst.idx.add.f32.msk $0xffff, v3  }
0x159: {  	v41 =	vadd.s32 v15, v32;
	v52 =	vor.u32 $0x5, v45;
	v37 =	vadd.s32 v15, v36;
	v40 =	vld.idx.msk [tilespmem:v45+s2+$0x0], $0xffff  }
0x15a: {  	v44 =	vor.u32 $0x6, v45;
	v32 =	vld.idx.msk [tilespmem:v46+s2+$0x0], $0xffff  }
0x15b: {  	v39 =	vadd.s32 v15, v34;
	v46 =	vadd.s32 v15, v49;
	v35 =	vld.idx.msk [tilespmem:v48+s2+$0x0], $0xffff  }
.Ltmp5:
0x15c: {  	v45 =	vadd.s32 v15, v33;
	v33 =	vld.idx.msk [tilespmem:v50+s2+$0x0], $0xffff;
	(pc) =	sbr.rel @p0 .LBB2_12-.Ltmp5, $4  }
0x15d: {  	[tilespmem:v47+s9+$0x0] =	vst.idx.add.f32.msk $0xffff, v3  }
0x15e: {  	v36 =	vld.idx.msk [tilespmem:v51+s2+$0x0], $0xffff  }
0x15f: {  	v34 =	vld.idx.msk [tilespmem:v52+s2+$0x0], $0xffff  }
0x160: {  	v38 =	vadd.s32 $0x8, v38;
	[tilespmem:v46+s9+$0x0] =	vst.idx.add.f32.msk $0xffff, v3  }
0x161: {  	_ =	sdelay $0x3  }
0x162: {  	v38 =	vld.idx.msk [tilespmem:v43+s2+$0x0], $0xffff  }
0x163: {  	v49 =	vld.idx.msk [tilespmem:v44+s2+$0x0], $0xffff  }
0x164: {  	[tilespmem:v42+s9+$0x0] =	vst.idx.add.f32.msk $0xffff, v3;
	v40 =	vadd.s32 v15, v40  }
0x165: {  	[tilespmem:v45+s9+$0x0] =	vst.idx.add.f32.msk $0xffff, v3;
	v35 =	vadd.s32 v15, v35  }
0x166: {  	[tilespmem:v41+s9+$0x0] =	vst.idx.add.f32.msk $0xffff, v3;
	v33 =	vadd.s32 v15, v33  }
0x167: {  	[tilespmem:v37+s9+$0x0] =	vst.idx.add.f32.msk $0xffff, v3;
	v32 =	vadd.s32 v15, v32  }
0x168: {  	[tilespmem:v39+s9+$0x0] =	vst.idx.add.f32.msk $0xffff, v3;
	v36 =	vadd.s32 v15, v36  }
0x169: {  	v34 =	vadd.s32 v15, v34;
	[tilespmem:v40+s9+$0x0] =	vst.idx.add.f32.msk $0xffff, v3  }
0x16a: {  	v38 =	vadd.s32 v15, v38;
	[tilespmem:v35+s9+$0x0] =	vst.idx.add.f32.msk $0xffff, v3  }
0x16b: {  	v50 =	vadd.s32 v15, v49;
	[tilespmem:v33+s9+$0x0] =	vst.idx.add.f32.msk $0xffff, v3  }
0x16c: {  	v51 =	vadd.s32 v17, v30;
	[tilespmem:v32+s9+$0x0] =	vst.idx.add.f32.msk $0xffff, v3  }
0x16d: {  	v52 =	vor.u32 $0x1, v51;
	[tilespmem:v36+s9+$0x0] =	vst.idx.add.f32.msk $0xffff, v3  }
0x16e: {  	v53 =	vor.u32 $0x7, v51;
	[tilespmem:v34+s9+$0x0] =	vst.idx.add.f32.msk $0xffff, v3  }
0x16f: {  	v54 =	vor.u32 $0x4, v51;
	[tilespmem:v38+s9+$0x0] =	vst.idx.add.f32.msk $0xffff, v3  }
0x170: {  	v55 =	vor.u32 $0x2, v51;
	[tilespmem:v50+s9+$0x0] =	vst.idx.add.f32.msk $0xffff, v3  }
0x171: {  	v30 =	vadd.s32 v19, v30;
	v36 =	vld.idx.msk [tilespmem:v51+s2+$0x0], $0xffff  }
0x172: {  	v56 =	vor.u32 $0x6, v51;
	v32 =	vld.idx.msk [tilespmem:v52+s2+$0x0], $0xffff  }
0x173: {  	v35 =	vor.u32 $0x5, v51;
	v33 =	vld.idx.msk [tilespmem:v53+s2+$0x0], $0xffff  }
0x174: {  	v57 =	vadd.s32 v17, v31;
	v34 =	vld.idx.msk [tilespmem:v54+s2+$0x0], $0xffff  }
0x175: {  	v61 =	vor.u32 $0x2, v57;
	v42 =	vld.idx.msk [tilespmem:v55+s2+$0x0], $0xffff  }
0x176: {  	v58 =	vld.idx.msk [tilespmem:v30+s2+$0x0], $0xffff;
	v30 =	vor.u32 $0x1, v57  }
0x177: {  	v59 =	vor.u32 $0x7, v57;
	v38 =	vld.idx.msk [tilespmem:v56+s2+$0x0], $0xffff  }
0x178: {  	v63 =	vadd.s32 v19, v31;
	v60 =	vld.idx.msk [tilespmem:v35+s2+$0x0], $0xffff  }
0x179: {  	v46 =	vor.u32 $0x5, v57;
	v37 =	vld.idx.msk [tilespmem:v57+s2+$0x0], $0xffff  }
0x17a: {  	v31 =	vld.idx.msk [tilespmem:v61+s2+$0x0], $0xffff;
	v36 =	vadd.s32 v18, v36  }
0x17b: {  	v62 =	vadd.s32 v18, v34;
	v30 =	vld.idx.msk [tilespmem:v30+s2+$0x0], $0xffff  }
0x17c: {  	v34 =	vld.idx.msk [tilespmem:v59+s2+$0x0], $0xffff;
	v47 =	vadd.s32 v18, v38  }
0x17d: {  	v39 =	vadd.s32 v18, v33;
	v33 =	vld.idx.msk [tilespmem:v63+s2+$0x0], $0xffff  }
0x17e: {  	v40 =	vor.u32 $0x4, v57;
	v38 =	vadd.s32 v18, v32;
	v32 =	vld.idx.msk [tilespmem:v46+s2+$0x0], $0xffff  }
0x17f: {  	v42 =	vadd.s32 v18, v42;
	[tilespmem:v36+s9+$0x0] =	vst.idx.add.f32.msk $0xffff, v3  }
0x180: {  	v29 =	vadd.s32 $0x8, v29;
	[tilespmem:v62+s9+$0x0] =	vst.idx.add.f32.msk $0xffff, v3  }
0x181: {  	s13 =	simm.s32 $0x8;
	v41 =	vor.u32 $0x6, v57;
	v35 =	vadd.s32 v18, v58;
	v36 =	vadd.s32 v18, v60;
	[tilespmem:v47+s9+$0x0] =	vst.idx.add.f32.msk $0xffff, v3  }
.LBB2_14:
0x182: {  	v43 =	vshll.u32 v29, $0x3;
	s13 =	sadd.s32 $0x8, s13;
	[tilespmem:v39+s9+$0x0] =	vst.idx.add.f32.msk $0xffff, v3  }
0x183: {  	v39 =	vand.u32 $0x78, v29;
	v37 =	vadd.s32 v18, v37;
	v43 =	vand.u32 $0xFFFFFC00, v43;
	p0 =	slt.u32 s13, $0xC0;
	v44 =	vld.idx.msk [tilespmem:v40+s2+$0x0], $0xffff  }
0x184: {  	v39 =	vor.u32 v39, v43;
	[tilespmem:v42+s9+$0x0] =	vst.idx.add.f32.msk $0xffff, v3  }
0x185: {  	v42 =	vadd.s32 v17, v39;
	[tilespmem:v38+s9+$0x0] =	vst.idx.add.f32.msk $0xffff, v3  }
0x186: {  	v43 =	vor.u32 $0x1, v42;
	v45 =	vor.u32 $0x7, v42;
	v46 =	vld.idx.msk [tilespmem:v41+s2+$0x0], $0xffff  }
0x187: {  	v47 =	vor.u32 $0x2, v42;
	[tilespmem:v35+s9+$0x0] =	vst.idx.add.f32.msk $0xffff, v3  }
0x188: {  	v48 =	vadd.s32 v19, v39;
	v39 =	vadd.s32 v18, v34;
	[tilespmem:v36+s9+$0x0] =	vst.idx.add.f32.msk $0xffff, v3  }
0x189: {  	v40 =	vor.u32 $0x4, v42;
	v44 =	vadd.s32 v18, v44;
	[tilespmem:v37+s9+$0x0] =	vst.idx.add.f32.msk $0xffff, v3  }
0x18a: {  	v38 =	vadd.s32 v18, v30;
	v49 =	vor.u32 $0x5, v42;
	v35 =	vadd.s32 v18, v33;
	v37 =	vld.idx.msk [tilespmem:v42+s2+$0x0], $0xffff  }
0x18b: {  	v41 =	vor.u32 $0x6, v42;
	v30 =	vld.idx.msk [tilespmem:v43+s2+$0x0], $0xffff  }
0x18c: {  	v36 =	vadd.s32 v18, v32;
	v43 =	vadd.s32 v18, v46;
	v34 =	vld.idx.msk [tilespmem:v45+s2+$0x0], $0xffff  }
.Ltmp6:
0x18d: {  	v42 =	vadd.s32 v18, v31;
	v31 =	vld.idx.msk [tilespmem:v47+s2+$0x0], $0xffff;
	(pc) =	sbr.rel @p0 .LBB2_14-.Ltmp6, $4  }
0x18e: {  	[tilespmem:v44+s9+$0x0] =	vst.idx.add.f32.msk $0xffff, v3  }
0x18f: {  	v33 =	vld.idx.msk [tilespmem:v48+s2+$0x0], $0xffff  }
0x190: {  	v32 =	vld.idx.msk [tilespmem:v49+s2+$0x0], $0xffff  }
0x191: {  	v29 =	vadd.s32 $0x8, v29;
	[tilespmem:v43+s9+$0x0] =	vst.idx.add.f32.msk $0xffff, v3  }
0x192: {  	_ =	sdelay $0x3  }
0x193: {  	v29 =	vld.idx.msk [tilespmem:v40+s2+$0x0], $0xffff;
	_ =	sdelay $0x2  }
0x194: {  	v47 =	vld.idx.msk [tilespmem:v41+s2+$0x0], $0xffff  }
0x195: {  	[tilespmem:v39+s9+$0x0] =	vst.idx.add.f32.msk $0xffff, v3;
	v37 =	vadd.s32 v18, v37  }
0x196: {  	[tilespmem:v42+s9+$0x0] =	vst.idx.add.f32.msk $0xffff, v3;
	v29 =	vadd.s32 v18, v29  }
0x197: {  	[tilespmem:v38+s9+$0x0] =	vst.idx.add.f32.msk $0xffff, v3;
	v34 =	vadd.s32 v18, v34  }
0x198: {  	[tilespmem:v35+s9+$0x0] =	vst.idx.add.f32.msk $0xffff, v3;
	v31 =	vadd.s32 v18, v31  }
0x199: {  	[tilespmem:v36+s9+$0x0] =	vst.idx.add.f32.msk $0xffff, v3;
	v49 =	vimm.s32 $0x0;
	v50 =	vadd.s32 v18, v30  }
0x19a: {  	v30 =	vshll.u32 v49, $0x3;
	v33 =	vadd.s32 v18, v33;
	[tilespmem:v37+s9+$0x0] =	vst.idx.add.f32.msk $0xffff, v3  }
0x19b: {  	v30 =	vand.u32 $0xFFFFFC00, v30;
	v32 =	vadd.s32 v18, v32;
	[tilespmem:v29+s9+$0x0] =	vst.idx.add.f32.msk $0xffff, v3;
	v29 =	vand.u32 $0x78, v49  }
0x19c: {  	v48 =	vadd.s32 v18, v47;
	[tilespmem:v34+s9+$0x0] =	vst.idx.add.f32.msk $0xffff, v3;
	v30 =	vor.u32 v29, v30  }
0x19d: {  	[tilespmem:v31+s9+$0x0] =	vst.idx.add.f32.msk $0xffff, v3;
	v51 =	vadd.s32 v20, v30  }
0x19e: {  	[tilespmem:v50+s9+$0x0] =	vst.idx.add.f32.msk $0xffff, v3;
	v31 =	vor.u32 $0x1, v51  }
0x19f: {  	[tilespmem:v33+s9+$0x0] =	vst.idx.add.f32.msk $0xffff, v3  }
0x1a0: {  	[tilespmem:v32+s9+$0x0] =	vst.idx.add.f32.msk $0xffff, v3;
	v55 =	vadd.s32 v22, v30  }
0x1a1: {  	[tilespmem:v48+s9+$0x0] =	vst.idx.add.f32.msk $0xffff, v3;
	v52 =	vor.u32 $0x7, v51  }
0x1a2: {  	v29 =	vadd.s32 $0x8, v49;
	v53 =	vor.u32 $0x4, v51;
	v36 =	vld.idx.msk [tilespmem:v51+s2+$0x0], $0xffff  }
0x1a3: {  	v54 =	vor.u32 $0x2, v51;
	v39 =	vld.idx.msk [tilespmem:v31+s2+$0x0], $0xffff;
	v31 =	vshll.u32 v29, $0x3  }
0x1a4: {  	v58 =	vand.u32 $0x78, v29;
	v56 =	vor.u32 $0x6, v51;
	v31 =	vand.u32 $0xFFFFFC00, v31  }
0x1a5: {  	v34 =	vor.u32 $0x5, v51;
	v59 =	vld.idx.msk [tilespmem:v55+s2+$0x0], $0xffff;
	v31 =	vor.u32 v58, v31  }
0x1a6: {  	v57 =	vld.idx.msk [tilespmem:v52+s2+$0x0], $0xffff;
	v44 =	vadd.s32 v20, v31  }
0x1a7: {  	v33 =	vld.idx.msk [tilespmem:v53+s2+$0x0], $0xffff;
	v36 =	vadd.s32 v21, v36  }
0x1a8: {  	v45 =	vld.idx.msk [tilespmem:v54+s2+$0x0], $0xffff;
	v60 =	vor.u32 $0x1, v44  }
0x1a9: {  	v42 =	vld.idx.msk [tilespmem:v56+s2+$0x0], $0xffff;
	v61 =	vor.u32 $0x7, v44  }
0x1aa: {  	v46 =	vld.idx.msk [tilespmem:v34+s2+$0x0], $0xffff;
	v62 =	vor.u32 $0x2, v44  }
0x1ab: {  	v47 =	vadd.s32 v22, v31;
	v40 =	vld.idx.msk [tilespmem:v44+s2+$0x0], $0xffff  }
0x1ac: {  	v48 =	vor.u32 $0x5, v44;
	[tilespmem:v36+s9+$0x0] =	vst.idx.add.f32.msk $0xffff, v3  }
0x1ad: {  	v63 =	vadd.s32 v21, v33;
	v32 =	vld.idx.msk [tilespmem:v60+s2+$0x0], $0xffff  }
0x1ae: {  	v49 =	vadd.s32 v21, v42;
	v35 =	vld.idx.msk [tilespmem:v61+s2+$0x0], $0xffff  }
0x1af: {  	v42 =	vadd.s32 v21, v57;
	v33 =	vld.idx.msk [tilespmem:v62+s2+$0x0], $0xffff  }
0x1b0: {  	v43 =	vor.u32 $0x4, v44;
	v36 =	vld.idx.msk [tilespmem:v47+s2+$0x0], $0xffff  }
0x1b1: {  	v45 =	vadd.s32 v21, v45;
	v34 =	vld.idx.msk [tilespmem:v48+s2+$0x0], $0xffff  }
0x1b2: {  	v38 =	vadd.s32 $0x8, v29;
	v41 =	vadd.s32 v21, v39;
	[tilespmem:v63+s9+$0x0] =	vst.idx.add.f32.msk $0xffff, v3  }
0x1b3: {  	s13 =	simm.s32 $0x8;
	v37 =	vadd.s32 v21, v59;
	v39 =	vadd.s32 v21, v46;
	v44 =	vor.u32 $0x6, v44;
	[tilespmem:v49+s9+$0x0] =	vst.idx.add.f32.msk $0xffff, v3  }
.LBB2_16:
0x1b4: {  	v46 =	vshll.u32 v38, $0x3;
	s13 =	sadd.s32 $0x8, s13;
	[tilespmem:v42+s9+$0x0] =	vst.idx.add.f32.msk $0xffff, v3  }
0x1b5: {  	v42 =	vand.u32 $0x78, v38;
	v40 =	vadd.s32 v21, v40;
	v46 =	vand.u32 $0xFFFFFC00, v46;
	p0 =	slt.u32 s13, $0xC0;
	v47 =	vld.idx.msk [tilespmem:v43+s2+$0x0], $0xffff  }
0x1b6: {  	v42 =	vor.u32 v42, v46;
	[tilespmem:v45+s9+$0x0] =	vst.idx.add.f32.msk $0xffff, v3  }
0x1b7: {  	v45 =	vadd.s32 v20, v42;
	[tilespmem:v41+s9+$0x0] =	vst.idx.add.f32.msk $0xffff, v3  }
0x1b8: {  	v46 =	vor.u32 $0x1, v45;
	v48 =	vor.u32 $0x7, v45;
	v49 =	vld.idx.msk [tilespmem:v44+s2+$0x0], $0xffff  }
0x1b9: {  	v50 =	vor.u32 $0x2, v45;
	[tilespmem:v37+s9+$0x0] =	vst.idx.add.f32.msk $0xffff, v3  }
0x1ba: {  	v51 =	vadd.s32 v22, v42;
	v42 =	vadd.s32 v21, v35;
	[tilespmem:v39+s9+$0x0] =	vst.idx.add.f32.msk $0xffff, v3  }
0x1bb: {  	v43 =	vor.u32 $0x4, v45;
	v47 =	vadd.s32 v21, v47;
	[tilespmem:v40+s9+$0x0] =	vst.idx.add.f32.msk $0xffff, v3  }
0x1bc: {  	v41 =	vadd.s32 v21, v32;
	v52 =	vor.u32 $0x5, v45;
	v37 =	vadd.s32 v21, v36;
	v40 =	vld.idx.msk [tilespmem:v45+s2+$0x0], $0xffff  }
0x1bd: {  	v44 =	vor.u32 $0x6, v45;
	v32 =	vld.idx.msk [tilespmem:v46+s2+$0x0], $0xffff  }
0x1be: {  	v39 =	vadd.s32 v21, v34;
	v46 =	vadd.s32 v21, v49;
	v35 =	vld.idx.msk [tilespmem:v48+s2+$0x0], $0xffff  }
.Ltmp7:
0x1bf: {  	v45 =	vadd.s32 v21, v33;
	v33 =	vld.idx.msk [tilespmem:v50+s2+$0x0], $0xffff;
	(pc) =	sbr.rel @p0 .LBB2_16-.Ltmp7, $4  }
0x1c0: {  	[tilespmem:v47+s9+$0x0] =	vst.idx.add.f32.msk $0xffff, v3  }
0x1c1: {  	v36 =	vld.idx.msk [tilespmem:v51+s2+$0x0], $0xffff  }
0x1c2: {  	v34 =	vld.idx.msk [tilespmem:v52+s2+$0x0], $0xffff  }
0x1c3: {  	v38 =	vadd.s32 $0x8, v38;
	[tilespmem:v46+s9+$0x0] =	vst.idx.add.f32.msk $0xffff, v3  }
0x1c4: {  	_ =	sdelay $0x3  }
0x1c5: {  	v38 =	vld.idx.msk [tilespmem:v43+s2+$0x0], $0xffff  }
0x1c6: {  	v49 =	vld.idx.msk [tilespmem:v44+s2+$0x0], $0xffff  }
0x1c7: {  	[tilespmem:v42+s9+$0x0] =	vst.idx.add.f32.msk $0xffff, v3;
	v40 =	vadd.s32 v21, v40  }
0x1c8: {  	[tilespmem:v45+s9+$0x0] =	vst.idx.add.f32.msk $0xffff, v3;
	v35 =	vadd.s32 v21, v35  }
0x1c9: {  	[tilespmem:v41+s9+$0x0] =	vst.idx.add.f32.msk $0xffff, v3;
	v33 =	vadd.s32 v21, v33  }
0x1ca: {  	[tilespmem:v37+s9+$0x0] =	vst.idx.add.f32.msk $0xffff, v3;
	v32 =	vadd.s32 v21, v32  }
0x1cb: {  	[tilespmem:v39+s9+$0x0] =	vst.idx.add.f32.msk $0xffff, v3;
	v36 =	vadd.s32 v21, v36  }
0x1cc: {  	v34 =	vadd.s32 v21, v34;
	[tilespmem:v40+s9+$0x0] =	vst.idx.add.f32.msk $0xffff, v3  }
0x1cd: {  	v38 =	vadd.s32 v21, v38;
	[tilespmem:v35+s9+$0x0] =	vst.idx.add.f32.msk $0xffff, v3  }
0x1ce: {  	v50 =	vadd.s32 v21, v49;
	[tilespmem:v33+s9+$0x0] =	vst.idx.add.f32.msk $0xffff, v3  }
0x1cf: {  	v51 =	vadd.s32 v23, v30;
	[tilespmem:v32+s9+$0x0] =	vst.idx.add.f32.msk $0xffff, v3  }
0x1d0: {  	v52 =	vor.u32 $0x1, v51;
	[tilespmem:v36+s9+$0x0] =	vst.idx.add.f32.msk $0xffff, v3  }
0x1d1: {  	v53 =	vor.u32 $0x7, v51;
	[tilespmem:v34+s9+$0x0] =	vst.idx.add.f32.msk $0xffff, v3  }
0x1d2: {  	v54 =	vor.u32 $0x4, v51;
	[tilespmem:v38+s9+$0x0] =	vst.idx.add.f32.msk $0xffff, v3  }
0x1d3: {  	v55 =	vor.u32 $0x2, v51;
	[tilespmem:v50+s9+$0x0] =	vst.idx.add.f32.msk $0xffff, v3  }
0x1d4: {  	v30 =	vadd.s32 v25, v30;
	v36 =	vld.idx.msk [tilespmem:v51+s2+$0x0], $0xffff  }
0x1d5: {  	v56 =	vor.u32 $0x6, v51;
	v32 =	vld.idx.msk [tilespmem:v52+s2+$0x0], $0xffff  }
0x1d6: {  	v35 =	vor.u32 $0x5, v51;
	v39 =	vld.idx.msk [tilespmem:v53+s2+$0x0], $0xffff  }
0x1d7: {  	v58 =	vadd.s32 v23, v31;
	v34 =	vld.idx.msk [tilespmem:v54+s2+$0x0], $0xffff  }
0x1d8: {  	v59 =	vor.u32 $0x7, v58;
	v42 =	vld.idx.msk [tilespmem:v55+s2+$0x0], $0xffff  }
0x1d9: {  	v61 =	vor.u32 $0x2, v58;
	v41 =	vld.idx.msk [tilespmem:v30+s2+$0x0], $0xffff  }
0x1da: {  	v30 =	vor.u32 $0x1, v58;
	v38 =	vld.idx.msk [tilespmem:v56+s2+$0x0], $0xffff  }
0x1db: {  	v63 =	vor.u32 $0x5, v58;
	v60 =	vld.idx.msk [tilespmem:v35+s2+$0x0], $0xffff  }
0x1dc: {  	v37 =	vld.idx.msk [tilespmem:v58+s2+$0x0], $0xffff;
	v57 =	vadd.s32 v24, v36  }
0x1dd: {  	v33 =	vld.idx.msk [tilespmem:v59+s2+$0x0], $0xffff;
	v34 =	vadd.s32 v24, v34  }
0x1de: {  	v62 =	vadd.s32 v25, v31;
	v31 =	vld.idx.msk [tilespmem:v61+s2+$0x0], $0xffff  }
0x1df: {  	v30 =	vld.idx.msk [tilespmem:v30+s2+$0x0], $0xffff;
	v46 =	vadd.s32 v24, v38  }
0x1e0: {  	v39 =	vadd.s32 v24, v39;
	v38 =	vadd.s32 v24, v32;
	v32 =	vld.idx.msk [tilespmem:v63+s2+$0x0], $0xffff  }
0x1e1: {  	v40 =	vor.u32 $0x4, v58;
	[tilespmem:v57+s9+$0x0] =	vst.idx.add.f32.msk $0xffff, v3  }
0x1e2: {  	v42 =	vadd.s32 v24, v42;
	[tilespmem:v34+s9+$0x0] =	vst.idx.add.f32.msk $0xffff, v3  }
0x1e3: {  	v29 =	vadd.s32 $0x8, v29;
	v34 =	vld.idx.msk [tilespmem:v62+s2+$0x0], $0xffff  }
0x1e4: {  	s13 =	simm.s32 $0x8;
	v35 =	vadd.s32 v24, v41;
	v41 =	vor.u32 $0x6, v58;
	v36 =	vadd.s32 v24, v60;
	[tilespmem:v46+s9+$0x0] =	vst.idx.add.f32.msk $0xffff, v3  }
.LBB2_18:
0x1e5: {  	v43 =	vshll.u32 v29, $0x3;
	s13 =	sadd.s32 $0x8, s13;
	[tilespmem:v39+s9+$0x0] =	vst.idx.add.f32.msk $0xffff, v3  }
0x1e6: {  	v39 =	vand.u32 $0x78, v29;
	v37 =	vadd.s32 v24, v37;
	v43 =	vand.u32 $0xFFFFFC00, v43;
	p0 =	slt.u32 s13, $0xC0;
	v44 =	vld.idx.msk [tilespmem:v40+s2+$0x0], $0xffff  }
0x1e7: {  	v39 =	vor.u32 v39, v43;
	[tilespmem:v42+s9+$0x0] =	vst.idx.add.f32.msk $0xffff, v3  }
0x1e8: {  	v42 =	vadd.s32 v23, v39;
	[tilespmem:v38+s9+$0x0] =	vst.idx.add.f32.msk $0xffff, v3  }
0x1e9: {  	v43 =	vor.u32 $0x1, v42;
	v45 =	vor.u32 $0x7, v42;
	v46 =	vld.idx.msk [tilespmem:v41+s2+$0x0], $0xffff  }
0x1ea: {  	v47 =	vor.u32 $0x2, v42;
	[tilespmem:v35+s9+$0x0] =	vst.idx.add.f32.msk $0xffff, v3  }
0x1eb: {  	v48 =	vadd.s32 v25, v39;
	v39 =	vadd.s32 v24, v33;
	[tilespmem:v36+s9+$0x0] =	vst.idx.add.f32.msk $0xffff, v3  }
0x1ec: {  	v40 =	vor.u32 $0x4, v42;
	v44 =	vadd.s32 v24, v44;
	[tilespmem:v37+s9+$0x0] =	vst.idx.add.f32.msk $0xffff, v3  }
0x1ed: {  	v38 =	vadd.s32 v24, v30;
	v49 =	vor.u32 $0x5, v42;
	v35 =	vadd.s32 v24, v34;
	v37 =	vld.idx.msk [tilespmem:v42+s2+$0x0], $0xffff  }
0x1ee: {  	v41 =	vor.u32 $0x6, v42;
	v30 =	vld.idx.msk [tilespmem:v43+s2+$0x0], $0xffff  }
0x1ef: {  	v36 =	vadd.s32 v24, v32;
	v43 =	vadd.s32 v24, v46;
	v33 =	vld.idx.msk [tilespmem:v45+s2+$0x0], $0xffff  }
.Ltmp8:
0x1f0: {  	v42 =	vadd.s32 v24, v31;
	v31 =	vld.idx.msk [tilespmem:v47+s2+$0x0], $0xffff;
	(pc) =	sbr.rel @p0 .LBB2_18-.Ltmp8, $4  }
0x1f1: {  	[tilespmem:v44+s9+$0x0] =	vst.idx.add.f32.msk $0xffff, v3  }
0x1f2: {  	v34 =	vld.idx.msk [tilespmem:v48+s2+$0x0], $0xffff  }
0x1f3: {  	v32 =	vld.idx.msk [tilespmem:v49+s2+$0x0], $0xffff  }
0x1f4: {  	v29 =	vadd.s32 $0x8, v29;
	[tilespmem:v43+s9+$0x0] =	vst.idx.add.f32.msk $0xffff, v3  }
0x1f5: {  	_ =	sdelay $0x3  }
0x1f6: {  	v29 =	vld.idx.msk [tilespmem:v40+s2+$0x0], $0xffff;
	_ =	sdelay $0x1  }
0x1f7: {  	v44 =	vld.idx.msk [tilespmem:v41+s2+$0x0], $0xffff  }
0x1f8: {  	[tilespmem:v39+s9+$0x0] =	vst.idx.add.f32.msk $0xffff, v3;
	v37 =	vadd.s32 v24, v37  }
0x1f9: {  	[tilespmem:v42+s9+$0x0] =	vst.idx.add.f32.msk $0xffff, v3;
	v33 =	vadd.s32 v24, v33  }
0x1fa: {  	[tilespmem:v38+s9+$0x0] =	vst.idx.add.f32.msk $0xffff, v3;
	v29 =	vadd.s32 v24, v29  }
0x1fb: {  	[tilespmem:v35+s9+$0x0] =	vst.idx.add.f32.msk $0xffff, v3;
	v31 =	vadd.s32 v24, v31  }
0x1fc: {  	[tilespmem:v36+s9+$0x0] =	vst.idx.add.f32.msk $0xffff, v3;
	v30 =	vadd.s32 v24, v30  }
0x1fd: {  	v34 =	vadd.s32 v24, v34;
	[tilespmem:v37+s9+$0x0] =	vst.idx.add.f32.msk $0xffff, v3  }
0x1fe: {  	v45 =	vadd.s32 v24, v44;
	[tilespmem:v33+s9+$0x0] =	vst.idx.add.f32.msk $0xffff, v3  }
0x1ff: {  	v46 =	vimm.s32 $0x0;
	[tilespmem:v29+s9+$0x0] =	vst.idx.add.f32.msk $0xffff, v3;
	v29 =	vadd.s32 v24, v32  }
0x200: {  	v47 =	vshll.u32 v46, $0x3;
	[tilespmem:v31+s9+$0x0] =	vst.idx.add.f32.msk $0xffff, v3  }
0x201: {  	v31 =	vand.u32 $0x78, v46;
	v33 =	vand.u32 $0xFFFFFC00, v47;
	[tilespmem:v30+s9+$0x0] =	vst.idx.add.f32.msk $0xffff, v3  }
0x202: {  	v30 =	vor.u32 v31, v33;
	[tilespmem:v34+s9+$0x0] =	vst.idx.add.f32.msk $0xffff, v3  }
0x203: {  	v31 =	vadd.s32 v1, v30;
	[tilespmem:v45+s9+$0x0] =	vst.idx.add.f32.msk $0xffff, v3  }
0x204: {  	v48 =	vor.u32 $0x1, v31;
	[tilespmem:v29+s9+$0x0] =	vst.idx.add.f32.msk $0xffff, v3  }
0x205: {  	v49 =	vor.u32 $0x7, v31;
	_ =	swait.ge [sflag:s10], $0x8000  }
0x206: {  	v50 =	vor.u32 $0x4, v31;
	[sflag:s10] =	ssyncset.done $0x0  }
0x207: {  	v52 =	vor.u32 $0x2, v31;
	v29 =	vadd.s32 $0x8, v46;
	[sflag:s10] =	ssyncadd.s32 $0xFFFF8000  }
0x208: {  	v53 =	vadd.s32 v4, v30;
	v55 =	vor.u32 $0x6, v31;
	v56 =	vshll.u32 v29, $0x3;
	v51 =	vld.idx.msk [tilespmem:v31+s8+$0x0], $0xffff  }
0x209: {  	v57 =	vor.u32 $0x5, v31;
	v33 =	vand.u32 $0xFFFFFC00, v56;
	v54 =	vld.idx.msk [tilespmem:v48+s8+$0x0], $0xffff;
	v31 =	vand.u32 $0x78, v29  }
0x20a: {  	v34 =	vld.idx.msk [tilespmem:v49+s8+$0x0], $0xffff;
	v31 =	vor.u32 v31, v33  }
0x20b: {  	v35 =	vld.idx.msk [tilespmem:v50+s8+$0x0], $0xffff;
	v44 =	vadd.s32 v1, v31  }
0x20c: {  	v45 =	vld.idx.msk [tilespmem:v52+s8+$0x0], $0xffff;
	v59 =	vor.u32 $0x1, v44  }
0x20d: {  	v58 =	vld.idx.msk [tilespmem:v53+s8+$0x0], $0xffff;
	v60 =	vor.u32 $0x7, v44  }
0x20e: {  	v61 =	vld.idx.msk [tilespmem:v55+s8+$0x0], $0xffff;
	v62 =	vor.u32 $0x2, v44  }
0x20f: {  	v46 =	vld.idx.msk [tilespmem:v57+s8+$0x0], $0xffff;
	v48 =	vor.u32 $0x5, v44  }
0x210: {  	v36 =	vadd.s32 v26, v51;
	v40 =	vld.idx.msk [tilespmem:v44+s8+$0x0], $0xffff  }
0x211: {  	v63 =	vadd.s32 v26, v35;
	v32 =	vld.idx.msk [tilespmem:v59+s8+$0x0], $0xffff  }
0x212: {  	v47 =	vadd.s32 v4, v31;
	v35 =	vld.idx.msk [tilespmem:v60+s8+$0x0], $0xffff  }
0x213: {  	v49 =	vadd.s32 v26, v61;
	v33 =	vld.idx.msk [tilespmem:v62+s8+$0x0], $0xffff  }
0x214: {  	v42 =	vadd.s32 v26, v34;
	v34 =	vld.idx.msk [tilespmem:v48+s8+$0x0], $0xffff  }
0x215: {  	v43 =	vor.u32 $0x4, v44;
	[tilespmem:v36+s9+$0x0] =	vst.idx.add.f32.msk $0xffff, v3  }
0x216: {  	v45 =	vadd.s32 v26, v45;
	[tilespmem:v63+s9+$0x0] =	vst.idx.add.f32.msk $0xffff, v3  }
0x217: {  	v38 =	vadd.s32 $0x8, v29;
	v41 =	vadd.s32 v26, v54;
	v36 =	vld.idx.msk [tilespmem:v47+s8+$0x0], $0xffff  }
0x218: {  	s13 =	simm.s32 $0x8;
	v37 =	vadd.s32 v26, v58;
	v39 =	vadd.s32 v26, v46;
	v44 =	vor.u32 $0x6, v44;
	[tilespmem:v49+s9+$0x0] =	vst.idx.add.f32.msk $0xffff, v3  }
.LBB2_20:
0x219: {  	v46 =	vshll.u32 v38, $0x3;
	s13 =	sadd.s32 $0x8, s13;
	[tilespmem:v42+s9+$0x0] =	vst.idx.add.f32.msk $0xffff, v3  }
0x21a: {  	v42 =	vand.u32 $0x78, v38;
	v40 =	vadd.s32 v26, v40;
	v46 =	vand.u32 $0xFFFFFC00, v46;
	p0 =	slt.u32 s13, $0xC0;
	v47 =	vld.idx.msk [tilespmem:v43+s8+$0x0], $0xffff  }
0x21b: {  	v42 =	vor.u32 v42, v46;
	[tilespmem:v45+s9+$0x0] =	vst.idx.add.f32.msk $0xffff, v3  }
0x21c: {  	v45 =	vadd.s32 v1, v42;
	[tilespmem:v41+s9+$0x0] =	vst.idx.add.f32.msk $0xffff, v3  }
0x21d: {  	v46 =	vor.u32 $0x1, v45;
	v48 =	vor.u32 $0x7, v45;
	v49 =	vld.idx.msk [tilespmem:v44+s8+$0x0], $0xffff  }
0x21e: {  	v50 =	vor.u32 $0x2, v45;
	[tilespmem:v37+s9+$0x0] =	vst.idx.add.f32.msk $0xffff, v3  }
0x21f: {  	v51 =	vadd.s32 v4, v42;
	v42 =	vadd.s32 v26, v35;
	[tilespmem:v39+s9+$0x0] =	vst.idx.add.f32.msk $0xffff, v3  }
0x220: {  	v43 =	vor.u32 $0x4, v45;
	v47 =	vadd.s32 v26, v47;
	[tilespmem:v40+s9+$0x0] =	vst.idx.add.f32.msk $0xffff, v3  }
0x221: {  	v41 =	vadd.s32 v26, v32;
	v52 =	vor.u32 $0x5, v45;
	v37 =	vadd.s32 v26, v36;
	v40 =	vld.idx.msk [tilespmem:v45+s8+$0x0], $0xffff  }
0x222: {  	v44 =	vor.u32 $0x6, v45;
	v32 =	vld.idx.msk [tilespmem:v46+s8+$0x0], $0xffff  }
0x223: {  	v39 =	vadd.s32 v26, v34;
	v46 =	vadd.s32 v26, v49;
	v35 =	vld.idx.msk [tilespmem:v48+s8+$0x0], $0xffff  }
.Ltmp9:
0x224: {  	v45 =	vadd.s32 v26, v33;
	v33 =	vld.idx.msk [tilespmem:v50+s8+$0x0], $0xffff;
	(pc) =	sbr.rel @p0 .LBB2_20-.Ltmp9, $4  }
0x225: {  	[tilespmem:v47+s9+$0x0] =	vst.idx.add.f32.msk $0xffff, v3  }
0x226: {  	v36 =	vld.idx.msk [tilespmem:v51+s8+$0x0], $0xffff  }
0x227: {  	v34 =	vld.idx.msk [tilespmem:v52+s8+$0x0], $0xffff  }
0x228: {  	v38 =	vadd.s32 $0x8, v38;
	[tilespmem:v46+s9+$0x0] =	vst.idx.add.f32.msk $0xffff, v3  }
0x229: {  	_ =	sdelay $0x3  }
0x22a: {  	v38 =	vld.idx.msk [tilespmem:v43+s8+$0x0], $0xffff  }
0x22b: {  	v49 =	vld.idx.msk [tilespmem:v44+s8+$0x0], $0xffff  }
0x22c: {  	[tilespmem:v42+s9+$0x0] =	vst.idx.add.f32.msk $0xffff, v3;
	v40 =	vadd.s32 v26, v40  }
0x22d: {  	[tilespmem:v45+s9+$0x0] =	vst.idx.add.f32.msk $0xffff, v3;
	v35 =	vadd.s32 v26, v35  }
0x22e: {  	[tilespmem:v41+s9+$0x0] =	vst.idx.add.f32.msk $0xffff, v3;
	v33 =	vadd.s32 v26, v33  }
0x22f: {  	[tilespmem:v37+s9+$0x0] =	vst.idx.add.f32.msk $0xffff, v3;
	v32 =	vadd.s32 v26, v32  }
0x230: {  	[tilespmem:v39+s9+$0x0] =	vst.idx.add.f32.msk $0xffff, v3;
	v36 =	vadd.s32 v26, v36  }
0x231: {  	v34 =	vadd.s32 v26, v34;
	[tilespmem:v40+s9+$0x0] =	vst.idx.add.f32.msk $0xffff, v3  }
0x232: {  	v38 =	vadd.s32 v26, v38;
	[tilespmem:v35+s9+$0x0] =	vst.idx.add.f32.msk $0xffff, v3  }
0x233: {  	v50 =	vadd.s32 v26, v49;
	[tilespmem:v33+s9+$0x0] =	vst.idx.add.f32.msk $0xffff, v3  }
0x234: {  	v51 =	vadd.s32 v5, v30;
	[tilespmem:v32+s9+$0x0] =	vst.idx.add.f32.msk $0xffff, v3  }
0x235: {  	v52 =	vor.u32 $0x1, v51;
	[tilespmem:v36+s9+$0x0] =	vst.idx.add.f32.msk $0xffff, v3  }
0x236: {  	v53 =	vor.u32 $0x7, v51;
	[tilespmem:v34+s9+$0x0] =	vst.idx.add.f32.msk $0xffff, v3  }
0x237: {  	v54 =	vor.u32 $0x4, v51;
	[tilespmem:v38+s9+$0x0] =	vst.idx.add.f32.msk $0xffff, v3  }
0x238: {  	v55 =	vor.u32 $0x2, v51;
	[tilespmem:v50+s9+$0x0] =	vst.idx.add.f32.msk $0xffff, v3  }
0x239: {  	v30 =	vadd.s32 v7, v30;
	v36 =	vld.idx.msk [tilespmem:v51+s8+$0x0], $0xffff  }
0x23a: {  	v56 =	vor.u32 $0x6, v51;
	v32 =	vld.idx.msk [tilespmem:v52+s8+$0x0], $0xffff  }
0x23b: {  	v35 =	vor.u32 $0x5, v51;
	v33 =	vld.idx.msk [tilespmem:v53+s8+$0x0], $0xffff  }
0x23c: {  	v57 =	vadd.s32 v5, v31;
	v34 =	vld.idx.msk [tilespmem:v54+s8+$0x0], $0xffff  }
0x23d: {  	v61 =	vor.u32 $0x2, v57;
	v42 =	vld.idx.msk [tilespmem:v55+s8+$0x0], $0xffff  }
0x23e: {  	v58 =	vld.idx.msk [tilespmem:v30+s8+$0x0], $0xffff;
	v30 =	vor.u32 $0x1, v57  }
0x23f: {  	v59 =	vor.u32 $0x7, v57;
	v38 =	vld.idx.msk [tilespmem:v56+s8+$0x0], $0xffff  }
0x240: {  	v63 =	vadd.s32 v7, v31;
	v60 =	vld.idx.msk [tilespmem:v35+s8+$0x0], $0xffff  }
0x241: {  	v46 =	vor.u32 $0x5, v57;
	v37 =	vld.idx.msk [tilespmem:v57+s8+$0x0], $0xffff  }
0x242: {  	v31 =	vld.idx.msk [tilespmem:v61+s8+$0x0], $0xffff;
	v36 =	vadd.s32 v27, v36  }
0x243: {  	v62 =	vadd.s32 v27, v34;
	v30 =	vld.idx.msk [tilespmem:v30+s8+$0x0], $0xffff  }
0x244: {  	v34 =	vld.idx.msk [tilespmem:v59+s8+$0x0], $0xffff;
	v47 =	vadd.s32 v27, v38  }
0x245: {  	v39 =	vadd.s32 v27, v33;
	v33 =	vld.idx.msk [tilespmem:v63+s8+$0x0], $0xffff  }
0x246: {  	v40 =	vor.u32 $0x4, v57;
	v38 =	vadd.s32 v27, v32;
	v32 =	vld.idx.msk [tilespmem:v46+s8+$0x0], $0xffff  }
0x247: {  	v42 =	vadd.s32 v27, v42;
	[tilespmem:v36+s9+$0x0] =	vst.idx.add.f32.msk $0xffff, v3  }
0x248: {  	v29 =	vadd.s32 $0x8, v29;
	[tilespmem:v62+s9+$0x0] =	vst.idx.add.f32.msk $0xffff, v3  }
0x249: {  	s13 =	simm.s32 $0x8;
	v41 =	vor.u32 $0x6, v57;
	v35 =	vadd.s32 v27, v58;
	v36 =	vadd.s32 v27, v60;
	[tilespmem:v47+s9+$0x0] =	vst.idx.add.f32.msk $0xffff, v3  }
.LBB2_22:
0x24a: {  	v43 =	vshll.u32 v29, $0x3;
	s13 =	sadd.s32 $0x8, s13;
	[tilespmem:v39+s9+$0x0] =	vst.idx.add.f32.msk $0xffff, v3  }
0x24b: {  	v39 =	vand.u32 $0x78, v29;
	v37 =	vadd.s32 v27, v37;
	v43 =	vand.u32 $0xFFFFFC00, v43;
	p0 =	slt.u32 s13, $0xC0;
	v44 =	vld.idx.msk [tilespmem:v40+s8+$0x0], $0xffff  }
0x24c: {  	v39 =	vor.u32 v39, v43;
	[tilespmem:v42+s9+$0x0] =	vst.idx.add.f32.msk $0xffff, v3  }
0x24d: {  	v42 =	vadd.s32 v5, v39;
	[tilespmem:v38+s9+$0x0] =	vst.idx.add.f32.msk $0xffff, v3  }
0x24e: {  	v43 =	vor.u32 $0x1, v42;
	v45 =	vor.u32 $0x7, v42;
	v46 =	vld.idx.msk [tilespmem:v41+s8+$0x0], $0xffff  }
0x24f: {  	v47 =	vor.u32 $0x2, v42;
	[tilespmem:v35+s9+$0x0] =	vst.idx.add.f32.msk $0xffff, v3  }
0x250: {  	v48 =	vadd.s32 v7, v39;
	v39 =	vadd.s32 v27, v34;
	[tilespmem:v36+s9+$0x0] =	vst.idx.add.f32.msk $0xffff, v3  }
0x251: {  	v40 =	vor.u32 $0x4, v42;
	v44 =	vadd.s32 v27, v44;
	[tilespmem:v37+s9+$0x0] =	vst.idx.add.f32.msk $0xffff, v3  }
0x252: {  	v38 =	vadd.s32 v27, v30;
	v49 =	vor.u32 $0x5, v42;
	v35 =	vadd.s32 v27, v33;
	v37 =	vld.idx.msk [tilespmem:v42+s8+$0x0], $0xffff  }
0x253: {  	v41 =	vor.u32 $0x6, v42;
	v30 =	vld.idx.msk [tilespmem:v43+s8+$0x0], $0xffff  }
0x254: {  	v36 =	vadd.s32 v27, v32;
	v43 =	vadd.s32 v27, v46;
	v34 =	vld.idx.msk [tilespmem:v45+s8+$0x0], $0xffff  }
.Ltmp10:
0x255: {  	v42 =	vadd.s32 v27, v31;
	v31 =	vld.idx.msk [tilespmem:v47+s8+$0x0], $0xffff;
	(pc) =	sbr.rel @p0 .LBB2_22-.Ltmp10, $4  }
0x256: {  	[tilespmem:v44+s9+$0x0] =	vst.idx.add.f32.msk $0xffff, v3  }
0x257: {  	v33 =	vld.idx.msk [tilespmem:v48+s8+$0x0], $0xffff  }
0x258: {  	v32 =	vld.idx.msk [tilespmem:v49+s8+$0x0], $0xffff  }
0x259: {  	v29 =	vadd.s32 $0x8, v29;
	[tilespmem:v43+s9+$0x0] =	vst.idx.add.f32.msk $0xffff, v3  }
0x25a: {  	_ =	sdelay $0x3  }
0x25b: {  	v29 =	vld.idx.msk [tilespmem:v40+s8+$0x0], $0xffff;
	_ =	sdelay $0x2  }
0x25c: {  	v47 =	vld.idx.msk [tilespmem:v41+s8+$0x0], $0xffff  }
0x25d: {  	[tilespmem:v39+s9+$0x0] =	vst.idx.add.f32.msk $0xffff, v3;
	v37 =	vadd.s32 v27, v37  }
0x25e: {  	[tilespmem:v42+s9+$0x0] =	vst.idx.add.f32.msk $0xffff, v3;
	v29 =	vadd.s32 v27, v29  }
0x25f: {  	[tilespmem:v38+s9+$0x0] =	vst.idx.add.f32.msk $0xffff, v3;
	v34 =	vadd.s32 v27, v34  }
0x260: {  	[tilespmem:v35+s9+$0x0] =	vst.idx.add.f32.msk $0xffff, v3;
	v31 =	vadd.s32 v27, v31  }
0x261: {  	[tilespmem:v36+s9+$0x0] =	vst.idx.add.f32.msk $0xffff, v3;
	v49 =	vimm.s32 $0x0;
	v50 =	vadd.s32 v27, v30  }
0x262: {  	v30 =	vshll.u32 v49, $0x3;
	v33 =	vadd.s32 v27, v33;
	[tilespmem:v37+s9+$0x0] =	vst.idx.add.f32.msk $0xffff, v3  }
0x263: {  	v30 =	vand.u32 $0xFFFFFC00, v30;
	v32 =	vadd.s32 v27, v32;
	[tilespmem:v29+s9+$0x0] =	vst.idx.add.f32.msk $0xffff, v3;
	v29 =	vand.u32 $0x78, v49  }
0x264: {  	v48 =	vadd.s32 v27, v47;
	[tilespmem:v34+s9+$0x0] =	vst.idx.add.f32.msk $0xffff, v3;
	v30 =	vor.u32 v29, v30  }
0x265: {  	[tilespmem:v31+s9+$0x0] =	vst.idx.add.f32.msk $0xffff, v3;
	v51 =	vadd.s32 v8, v30  }
0x266: {  	[tilespmem:v50+s9+$0x0] =	vst.idx.add.f32.msk $0xffff, v3;
	v31 =	vor.u32 $0x1, v51  }
0x267: {  	[tilespmem:v33+s9+$0x0] =	vst.idx.add.f32.msk $0xffff, v3  }
0x268: {  	[tilespmem:v32+s9+$0x0] =	vst.idx.add.f32.msk $0xffff, v3;
	v55 =	vadd.s32 v10, v30  }
0x269: {  	[tilespmem:v48+s9+$0x0] =	vst.idx.add.f32.msk $0xffff, v3;
	v52 =	vor.u32 $0x7, v51  }
0x26a: {  	v29 =	vadd.s32 $0x8, v49;
	v53 =	vor.u32 $0x4, v51;
	v36 =	vld.idx.msk [tilespmem:v51+s8+$0x0], $0xffff  }
0x26b: {  	v54 =	vor.u32 $0x2, v51;
	v39 =	vld.idx.msk [tilespmem:v31+s8+$0x0], $0xffff;
	v31 =	vshll.u32 v29, $0x3  }
0x26c: {  	v58 =	vand.u32 $0x78, v29;
	v56 =	vor.u32 $0x6, v51;
	v31 =	vand.u32 $0xFFFFFC00, v31  }
0x26d: {  	v34 =	vor.u32 $0x5, v51;
	v59 =	vld.idx.msk [tilespmem:v55+s8+$0x0], $0xffff;
	v31 =	vor.u32 v58, v31  }
0x26e: {  	v57 =	vld.idx.msk [tilespmem:v52+s8+$0x0], $0xffff;
	v44 =	vadd.s32 v8, v31  }
0x26f: {  	v33 =	vld.idx.msk [tilespmem:v53+s8+$0x0], $0xffff;
	v36 =	vadd.s32 v28, v36  }
0x270: {  	v45 =	vld.idx.msk [tilespmem:v54+s8+$0x0], $0xffff;
	v60 =	vor.u32 $0x1, v44  }
0x271: {  	v42 =	vld.idx.msk [tilespmem:v56+s8+$0x0], $0xffff;
	v61 =	vor.u32 $0x7, v44  }
0x272: {  	v46 =	vld.idx.msk [tilespmem:v34+s8+$0x0], $0xffff;
	v62 =	vor.u32 $0x2, v44  }
0x273: {  	v47 =	vadd.s32 v10, v31;
	v40 =	vld.idx.msk [tilespmem:v44+s8+$0x0], $0xffff  }
0x274: {  	v48 =	vor.u32 $0x5, v44;
	[tilespmem:v36+s9+$0x0] =	vst.idx.add.f32.msk $0xffff, v3  }
0x275: {  	v63 =	vadd.s32 v28, v33;
	v32 =	vld.idx.msk [tilespmem:v60+s8+$0x0], $0xffff  }
0x276: {  	v49 =	vadd.s32 v28, v42;
	v35 =	vld.idx.msk [tilespmem:v61+s8+$0x0], $0xffff  }
0x277: {  	v42 =	vadd.s32 v28, v57;
	v33 =	vld.idx.msk [tilespmem:v62+s8+$0x0], $0xffff  }
0x278: {  	v43 =	vor.u32 $0x4, v44;
	v36 =	vld.idx.msk [tilespmem:v47+s8+$0x0], $0xffff  }
0x279: {  	v45 =	vadd.s32 v28, v45;
	v34 =	vld.idx.msk [tilespmem:v48+s8+$0x0], $0xffff  }
0x27a: {  	v38 =	vadd.s32 $0x8, v29;
	v41 =	vadd.s32 v28, v39;
	[tilespmem:v63+s9+$0x0] =	vst.idx.add.f32.msk $0xffff, v3  }
0x27b: {  	s13 =	simm.s32 $0x8;
	v37 =	vadd.s32 v28, v59;
	v39 =	vadd.s32 v28, v46;
	v44 =	vor.u32 $0x6, v44;
	[tilespmem:v49+s9+$0x0] =	vst.idx.add.f32.msk $0xffff, v3  }
.LBB2_24:
0x27c: {  	v46 =	vshll.u32 v38, $0x3;
	s13 =	sadd.s32 $0x8, s13;
	[tilespmem:v42+s9+$0x0] =	vst.idx.add.f32.msk $0xffff, v3  }
0x27d: {  	v42 =	vand.u32 $0x78, v38;
	v40 =	vadd.s32 v28, v40;
	v46 =	vand.u32 $0xFFFFFC00, v46;
	p0 =	slt.u32 s13, $0xC0;
	v47 =	vld.idx.msk [tilespmem:v43+s8+$0x0], $0xffff  }
0x27e: {  	v42 =	vor.u32 v42, v46;
	[tilespmem:v45+s9+$0x0] =	vst.idx.add.f32.msk $0xffff, v3  }
0x27f: {  	v45 =	vadd.s32 v8, v42;
	[tilespmem:v41+s9+$0x0] =	vst.idx.add.f32.msk $0xffff, v3  }
0x280: {  	v46 =	vor.u32 $0x1, v45;
	v48 =	vor.u32 $0x7, v45;
	v49 =	vld.idx.msk [tilespmem:v44+s8+$0x0], $0xffff  }
0x281: {  	v50 =	vor.u32 $0x2, v45;
	[tilespmem:v37+s9+$0x0] =	vst.idx.add.f32.msk $0xffff, v3  }
0x282: {  	v51 =	vadd.s32 v10, v42;
	v42 =	vadd.s32 v28, v35;
	[tilespmem:v39+s9+$0x0] =	vst.idx.add.f32.msk $0xffff, v3  }
0x283: {  	v43 =	vor.u32 $0x4, v45;
	v47 =	vadd.s32 v28, v47;
	[tilespmem:v40+s9+$0x0] =	vst.idx.add.f32.msk $0xffff, v3  }
0x284: {  	v41 =	vadd.s32 v28, v32;
	v52 =	vor.u32 $0x5, v45;
	v37 =	vadd.s32 v28, v36;
	v40 =	vld.idx.msk [tilespmem:v45+s8+$0x0], $0xffff  }
0x285: {  	v44 =	vor.u32 $0x6, v45;
	v32 =	vld.idx.msk [tilespmem:v46+s8+$0x0], $0xffff  }
0x286: {  	v39 =	vadd.s32 v28, v34;
	v46 =	vadd.s32 v28, v49;
	v35 =	vld.idx.msk [tilespmem:v48+s8+$0x0], $0xffff  }
.Ltmp11:
0x287: {  	v45 =	vadd.s32 v28, v33;
	v33 =	vld.idx.msk [tilespmem:v50+s8+$0x0], $0xffff;
	(pc) =	sbr.rel @p0 .LBB2_24-.Ltmp11, $4  }
0x288: {  	[tilespmem:v47+s9+$0x0] =	vst.idx.add.f32.msk $0xffff, v3  }
0x289: {  	v36 =	vld.idx.msk [tilespmem:v51+s8+$0x0], $0xffff  }
0x28a: {  	v34 =	vld.idx.msk [tilespmem:v52+s8+$0x0], $0xffff  }
0x28b: {  	v38 =	vadd.s32 $0x8, v38;
	[tilespmem:v46+s9+$0x0] =	vst.idx.add.f32.msk $0xffff, v3  }
0x28c: {  	_ =	sdelay $0x3  }
0x28d: {  	v38 =	vld.idx.msk [tilespmem:v43+s8+$0x0], $0xffff  }
0x28e: {  	v48 =	vld.idx.msk [tilespmem:v44+s8+$0x0], $0xffff  }
0x28f: {  	[tilespmem:v42+s9+$0x0] =	vst.idx.add.f32.msk $0xffff, v3;
	v40 =	vadd.s32 v28, v40  }
0x290: {  	[tilespmem:v45+s9+$0x0] =	vst.idx.add.f32.msk $0xffff, v3;
	v35 =	vadd.s32 v28, v35  }
0x291: {  	[tilespmem:v41+s9+$0x0] =	vst.idx.add.f32.msk $0xffff, v3;
	v33 =	vadd.s32 v28, v33  }
0x292: {  	[tilespmem:v37+s9+$0x0] =	vst.idx.add.f32.msk $0xffff, v3;
	v32 =	vadd.s32 v28, v32  }
0x293: {  	[tilespmem:v39+s9+$0x0] =	vst.idx.add.f32.msk $0xffff, v3;
	v36 =	vadd.s32 v28, v36  }
0x294: {  	v34 =	vadd.s32 v28, v34;
	[tilespmem:v40+s9+$0x0] =	vst.idx.add.f32.msk $0xffff, v3  }
0x295: {  	v38 =	vadd.s32 v28, v38;
	[tilespmem:v35+s9+$0x0] =	vst.idx.add.f32.msk $0xffff, v3  }
0x296: {  	v49 =	vadd.s32 v28, v48;
	[tilespmem:v33+s9+$0x0] =	vst.idx.add.f32.msk $0xffff, v3  }
0x297: {  	v50 =	vadd.s32 v11, v30;
	[tilespmem:v32+s9+$0x0] =	vst.idx.add.f32.msk $0xffff, v3  }
0x298: {  	v51 =	vor.u32 $0x1, v50;
	[tilespmem:v36+s9+$0x0] =	vst.idx.add.f32.msk $0xffff, v3  }
0x299: {  	v52 =	vor.u32 $0x7, v50;
	[tilespmem:v34+s9+$0x0] =	vst.idx.add.f32.msk $0xffff, v3  }
0x29a: {  	v53 =	vor.u32 $0x4, v50;
	[tilespmem:v38+s9+$0x0] =	vst.idx.add.f32.msk $0xffff, v3  }
0x29b: {  	v54 =	vor.u32 $0x2, v50;
	[tilespmem:v49+s9+$0x0] =	vst.idx.add.f32.msk $0xffff, v3  }
0x29c: {  	v55 =	vadd.s32 v13, v30;
	v36 =	vld.idx.msk [tilespmem:v50+s8+$0x0], $0xffff  }
0x29d: {  	v56 =	vor.u32 $0x6, v50;
	v39 =	vld.idx.msk [tilespmem:v51+s8+$0x0], $0xffff  }
0x29e: {  	v35 =	vor.u32 $0x5, v50;
	v33 =	vld.idx.msk [tilespmem:v52+s8+$0x0], $0xffff  }
0x29f: {  	v58 =	vadd.s32 v11, v31;
	v34 =	vld.idx.msk [tilespmem:v53+s8+$0x0], $0xffff  }
0x2a0: {  	v59 =	vor.u32 $0x1, v58;
	v57 =	vld.idx.msk [tilespmem:v54+s8+$0x0], $0xffff  }
0x2a1: {  	v60 =	vor.u32 $0x7, v58;
	v38 =	vld.idx.msk [tilespmem:v55+s8+$0x0], $0xffff  }
0x2a2: {  	v62 =	vor.u32 $0x2, v58;
	v32 =	vld.idx.msk [tilespmem:v56+s8+$0x0], $0xffff  }
0x2a3: {  	v30 =	vor.u32 $0x5800, v2;
	v46 =	vor.u32 $0x5, v58;
	v61 =	vld.idx.msk [tilespmem:v35+s8+$0x0], $0xffff  }
0x2a4: {  	v37 =	vld.idx.msk [tilespmem:v58+s8+$0x0], $0xffff;
	v36 =	vadd.s32 v30, v36  }
0x2a5: {  	v63 =	vadd.s32 v13, v31;
	v31 =	vld.idx.msk [tilespmem:v59+s8+$0x0], $0xffff;
	v34 =	vadd.s32 v30, v34  }
0x2a6: {  	v35 =	vld.idx.msk [tilespmem:v60+s8+$0x0], $0xffff  }
0x2a7: {  	v47 =	vadd.s32 v30, v32;
	v32 =	vld.idx.msk [tilespmem:v62+s8+$0x0], $0xffff  }
0x2a8: {  	v40 =	vadd.s32 v30, v33;
	v33 =	vld.idx.msk [tilespmem:v46+s8+$0x0], $0xffff  }
0x2a9: {  	v41 =	vor.u32 $0x4, v58;
	[tilespmem:v36+s9+$0x0] =	vst.idx.add.f32.msk $0xffff, v3  }
0x2aa: {  	v43 =	vadd.s32 v30, v57;
	[tilespmem:v34+s9+$0x0] =	vst.idx.add.f32.msk $0xffff, v3  }
0x2ab: {  	v29 =	vadd.s32 $0x8, v29;
	v39 =	vadd.s32 v30, v39;
	v34 =	vld.idx.msk [tilespmem:v63+s8+$0x0], $0xffff  }
0x2ac: {  	s13 =	simm.s32 $0x8;
	v42 =	vor.u32 $0x6, v58;
	v36 =	vadd.s32 v30, v38;
	v38 =	vadd.s32 v30, v61;
	[tilespmem:v47+s9+$0x0] =	vst.idx.add.f32.msk $0xffff, v3  }
.LBB2_26:
0x2ad: {  	v44 =	vshll.u32 v29, $0x3;
	s13 =	sadd.s32 $0x8, s13;
	[tilespmem:v40+s9+$0x0] =	vst.idx.add.f32.msk $0xffff, v3  }
0x2ae: {  	v40 =	vand.u32 $0x78, v29;
	v44 =	vand.u32 $0xFFFFFC00, v44;
	p0 =	slt.u32 s13, $0xC0;
	v45 =	vld.idx.msk [tilespmem:v41+s8+$0x0], $0xffff  }
0x2af: {  	v37 =	vadd.s32 v30, v37;
	v40 =	vor.u32 v40, v44;
	[tilespmem:v43+s9+$0x0] =	vst.idx.add.f32.msk $0xffff, v3  }
0x2b0: {  	v43 =	vadd.s32 v11, v40;
	[tilespmem:v39+s9+$0x0] =	vst.idx.add.f32.msk $0xffff, v3  }
0x2b1: {  	v44 =	vor.u32 $0x1, v43;
	v46 =	vor.u32 $0x7, v43;
	v47 =	vld.idx.msk [tilespmem:v42+s8+$0x0], $0xffff  }
0x2b2: {  	v48 =	vor.u32 $0x2, v43;
	[tilespmem:v36+s9+$0x0] =	vst.idx.add.f32.msk $0xffff, v3  }
0x2b3: {  	v49 =	vadd.s32 v13, v40;
	v40 =	vadd.s32 v30, v35;
	[tilespmem:v38+s9+$0x0] =	vst.idx.add.f32.msk $0xffff, v3  }
0x2b4: {  	v41 =	vor.u32 $0x4, v43;
	v45 =	vadd.s32 v30, v45;
	[tilespmem:v37+s9+$0x0] =	vst.idx.add.f32.msk $0xffff, v3  }
0x2b5: {  	v39 =	vadd.s32 v30, v31;
	v50 =	vor.u32 $0x5, v43;
	v36 =	vadd.s32 v30, v34;
	v37 =	vld.idx.msk [tilespmem:v43+s8+$0x0], $0xffff  }
0x2b6: {  	v42 =	vor.u32 $0x6, v43;
	v31 =	vld.idx.msk [tilespmem:v44+s8+$0x0], $0xffff  }
0x2b7: {  	v38 =	vadd.s32 v30, v33;
	v44 =	vadd.s32 v30, v47;
	v35 =	vld.idx.msk [tilespmem:v46+s8+$0x0], $0xffff  }
.Ltmp12:
0x2b8: {  	v43 =	vadd.s32 v30, v32;
	v32 =	vld.idx.msk [tilespmem:v48+s8+$0x0], $0xffff;
	(pc) =	sbr.rel @p0 .LBB2_26-.Ltmp12, $4  }
0x2b9: {  	[tilespmem:v45+s9+$0x0] =	vst.idx.add.f32.msk $0xffff, v3  }
0x2ba: {  	v34 =	vld.idx.msk [tilespmem:v49+s8+$0x0], $0xffff  }
0x2bb: {  	v33 =	vld.idx.msk [tilespmem:v50+s8+$0x0], $0xffff  }
0x2bc: {  	v29 =	vadd.s32 $0x8, v29;
	[tilespmem:v44+s9+$0x0] =	vst.idx.add.f32.msk $0xffff, v3  }
0x2bd: {  	_ =	sdelay $0x3  }
0x2be: {  	v29 =	vld.idx.msk [tilespmem:v41+s8+$0x0], $0xffff;
	_ =	sdelay $0x2  }
0x2bf: {  	v49 =	vld.idx.msk [tilespmem:v42+s8+$0x0], $0xffff  }
0x2c0: {  	[tilespmem:v40+s9+$0x0] =	vst.idx.add.f32.msk $0xffff, v3;
	v37 =	vadd.s32 v30, v37  }
0x2c1: {  	[tilespmem:v43+s9+$0x0] =	vst.idx.add.f32.msk $0xffff, v3;
	v29 =	vadd.s32 v30, v29  }
0x2c2: {  	[tilespmem:v39+s9+$0x0] =	vst.idx.add.f32.msk $0xffff, v3;
	v35 =	vadd.s32 v30, v35  }
0x2c3: {  	[tilespmem:v36+s9+$0x0] =	vst.idx.add.f32.msk $0xffff, v3;
	v32 =	vadd.s32 v30, v32  }
0x2c4: {  	[tilespmem:v38+s9+$0x0] =	vst.idx.add.f32.msk $0xffff, v3;
	v51 =	vimm.s32 $0x0;
	v31 =	vadd.s32 v30, v31  }
0x2c5: {  	v52 =	vshll.u32 v51, $0x3;
	v34 =	vadd.s32 v30, v34;
	[tilespmem:v37+s9+$0x0] =	vst.idx.add.f32.msk $0xffff, v3  }
0x2c6: {  	v33 =	vadd.s32 v30, v33;
	v37 =	vand.u32 $0xFFFFFC00, v52;
	[tilespmem:v29+s9+$0x0] =	vst.idx.add.f32.msk $0xffff, v3;
	v29 =	vand.u32 $0x78, v51  }
0x2c7: {  	v50 =	vadd.s32 v30, v49;
	[tilespmem:v35+s9+$0x0] =	vst.idx.add.f32.msk $0xffff, v3;
	v30 =	vor.u32 v29, v37  }
0x2c8: {  	[tilespmem:v32+s9+$0x0] =	vst.idx.add.f32.msk $0xffff, v3;
	v53 =	vadd.s32 v14, v30  }
0x2c9: {  	[tilespmem:v31+s9+$0x0] =	vst.idx.add.f32.msk $0xffff, v3;
	v31 =	vor.u32 $0x1, v53  }
0x2ca: {  	[tilespmem:v34+s9+$0x0] =	vst.idx.add.f32.msk $0xffff, v3  }
0x2cb: {  	[tilespmem:v33+s9+$0x0] =	vst.idx.add.f32.msk $0xffff, v3;
	v57 =	vadd.s32 v16, v30  }
0x2cc: {  	[tilespmem:v50+s9+$0x0] =	vst.idx.add.f32.msk $0xffff, v3;
	v55 =	vor.u32 $0x4, v53  }
0x2cd: {  	v29 =	vadd.s32 $0x8, v51;
	v54 =	vor.u32 $0x7, v53;
	v34 =	vld.idx.msk [tilespmem:v53+s8+$0x0], $0xffff  }
0x2ce: {  	v56 =	vor.u32 $0x2, v53;
	v40 =	vld.idx.msk [tilespmem:v31+s8+$0x0], $0xffff;
	v31 =	vshll.u32 v29, $0x3  }
0x2cf: {  	v60 =	vand.u32 $0x78, v29;
	v35 =	vor.u32 $0x6, v53;
	v31 =	vand.u32 $0xFFFFFC00, v31  }
0x2d0: {  	v58 =	vor.u32 $0x5, v53;
	v38 =	vld.idx.msk [tilespmem:v57+s8+$0x0], $0xffff;
	v31 =	vor.u32 v60, v31  }
0x2d1: {  	v33 =	vld.idx.msk [tilespmem:v55+s8+$0x0], $0xffff;
	v45 =	vadd.s32 v14, v31  }
0x2d2: {  	v32 =	vor.u32 $0x6000, v2;
	v59 =	vld.idx.msk [tilespmem:v54+s8+$0x0], $0xffff;
	v48 =	vadd.s32 v16, v31  }
0x2d3: {  	v46 =	vld.idx.msk [tilespmem:v56+s8+$0x0], $0xffff;
	v34 =	vadd.s32 v32, v34  }
0x2d4: {  	v35 =	vld.idx.msk [tilespmem:v35+s8+$0x0], $0xffff;
	v61 =	vor.u32 $0x1, v45  }
0x2d5: {  	v47 =	vld.idx.msk [tilespmem:v58+s8+$0x0], $0xffff;
	v62 =	vor.u32 $0x7, v45  }
0x2d6: {  	v44 =	vadd.s32 v32, v33;
	v39 =	vld.idx.msk [tilespmem:v45+s8+$0x0], $0xffff  }
0x2d7: {  	v63 =	vor.u32 $0x2, v45;
	v37 =	vld.idx.msk [tilespmem:v48+s8+$0x0], $0xffff  }
0x2d8: {  	v49 =	vor.u32 $0x5, v45;
	[tilespmem:v34+s9+$0x0] =	vst.idx.add.f32.msk $0xffff, v3  }
0x2d9: {  	v50 =	vadd.s32 v32, v35;
	v33 =	vld.idx.msk [tilespmem:v61+s8+$0x0], $0xffff  }
0x2da: {  	v43 =	vadd.s32 v32, v59;
	v36 =	vld.idx.msk [tilespmem:v62+s8+$0x0], $0xffff  }
0x2db: {  	[tilespmem:v44+s9+$0x0] =	vst.idx.add.f32.msk $0xffff, v3;
	v44 =	vor.u32 $0x4, v45  }
0x2dc: {  	v46 =	vadd.s32 v32, v46;
	v34 =	vld.idx.msk [tilespmem:v63+s8+$0x0], $0xffff  }
0x2dd: {  	v38 =	vadd.s32 v32, v38;
	v42 =	vadd.s32 v32, v40;
	v35 =	vld.idx.msk [tilespmem:v49+s8+$0x0], $0xffff  }
0x2de: {  	s13 =	simm.s32 $0x8;
	v41 =	vadd.s32 v32, v47;
	v40 =	vadd.s32 $0x8, v29;
	v45 =	vor.u32 $0x6, v45;
	[tilespmem:v50+s9+$0x0] =	vst.idx.add.f32.msk $0xffff, v3  }
.LBB2_28:
0x2df: {  	v47 =	vshll.u32 v40, $0x3;
	s13 =	sadd.s32 $0x8, s13;
	[tilespmem:v43+s9+$0x0] =	vst.idx.add.f32.msk $0xffff, v3  }
0x2e0: {  	v43 =	vand.u32 $0x78, v40;
	v47 =	vand.u32 $0xFFFFFC00, v47;
	p0 =	slt.u32 s13, $0xC0;
	v48 =	vld.idx.msk [tilespmem:v44+s8+$0x0], $0xffff  }
0x2e1: {  	v39 =	vadd.s32 v32, v39;
	v43 =	vor.u32 v43, v47;
	[tilespmem:v46+s9+$0x0] =	vst.idx.add.f32.msk $0xffff, v3  }
0x2e2: {  	v46 =	vadd.s32 v14, v43;
	[tilespmem:v42+s9+$0x0] =	vst.idx.add.f32.msk $0xffff, v3  }
0x2e3: {  	v47 =	vor.u32 $0x1, v46;
	v49 =	vor.u32 $0x7, v46;
	v50 =	vld.idx.msk [tilespmem:v45+s8+$0x0], $0xffff  }
0x2e4: {  	v51 =	vor.u32 $0x2, v46;
	[tilespmem:v38+s9+$0x0] =	vst.idx.add.f32.msk $0xffff, v3  }
0x2e5: {  	v52 =	vadd.s32 v16, v43;
	v43 =	vadd.s32 v32, v36;
	[tilespmem:v41+s9+$0x0] =	vst.idx.add.f32.msk $0xffff, v3  }
0x2e6: {  	v44 =	vor.u32 $0x4, v46;
	v48 =	vadd.s32 v32, v48;
	[tilespmem:v39+s9+$0x0] =	vst.idx.add.f32.msk $0xffff, v3  }
0x2e7: {  	v42 =	vadd.s32 v32, v33;
	v53 =	vor.u32 $0x5, v46;
	v38 =	vadd.s32 v32, v37;
	v39 =	vld.idx.msk [tilespmem:v46+s8+$0x0], $0xffff  }
0x2e8: {  	v45 =	vor.u32 $0x6, v46;
	v33 =	vld.idx.msk [tilespmem:v47+s8+$0x0], $0xffff  }
0x2e9: {  	v41 =	vadd.s32 v32, v35;
	v47 =	vadd.s32 v32, v50;
	v36 =	vld.idx.msk [tilespmem:v49+s8+$0x0], $0xffff  }
.Ltmp13:
0x2ea: {  	v46 =	vadd.s32 v32, v34;
	v34 =	vld.idx.msk [tilespmem:v51+s8+$0x0], $0xffff;
	(pc) =	sbr.rel @p0 .LBB2_28-.Ltmp13, $4  }
0x2eb: {  	[tilespmem:v48+s9+$0x0] =	vst.idx.add.f32.msk $0xffff, v3  }
0x2ec: {  	v37 =	vld.idx.msk [tilespmem:v52+s8+$0x0], $0xffff  }
0x2ed: {  	v35 =	vld.idx.msk [tilespmem:v53+s8+$0x0], $0xffff  }
0x2ee: {  	v40 =	vadd.s32 $0x8, v40;
	[tilespmem:v47+s9+$0x0] =	vst.idx.add.f32.msk $0xffff, v3  }
0x2ef: {  	_ =	sdelay $0x3  }
0x2f0: {  	v40 =	vld.idx.msk [tilespmem:v44+s8+$0x0], $0xffff  }
0x2f1: {  	v63 =	vld.idx.msk [tilespmem:v45+s8+$0x0], $0xffff  }
0x2f2: {  	[tilespmem:v43+s9+$0x0] =	vst.idx.add.f32.msk $0xffff, v3;
	v39 =	vadd.s32 v32, v39  }
0x2f3: {  	[tilespmem:v46+s9+$0x0] =	vst.idx.add.f32.msk $0xffff, v3;
	v36 =	vadd.s32 v32, v36  }
0x2f4: {  	[tilespmem:v42+s9+$0x0] =	vst.idx.add.f32.msk $0xffff, v3;
	v34 =	vadd.s32 v32, v34  }
0x2f5: {  	[tilespmem:v38+s9+$0x0] =	vst.idx.add.f32.msk $0xffff, v3;
	v33 =	vadd.s32 v32, v33  }
0x2f6: {  	[tilespmem:v41+s9+$0x0] =	vst.idx.add.f32.msk $0xffff, v3;
	v37 =	vadd.s32 v32, v37  }
0x2f7: {  	v46 =	vadd.s32 v32, v35;
	[tilespmem:v39+s9+$0x0] =	vst.idx.add.f32.msk $0xffff, v3  }
0x2f8: {  	v40 =	vadd.s32 v32, v40;
	[tilespmem:v36+s9+$0x0] =	vst.idx.add.f32.msk $0xffff, v3  }
0x2f9: {  	v45 =	vadd.s32 v32, v63;
	[tilespmem:v34+s9+$0x0] =	vst.idx.add.f32.msk $0xffff, v3  }
0x2fa: {  	v47 =	vadd.s32 v17, v30;
	[tilespmem:v33+s9+$0x0] =	vst.idx.add.f32.msk $0xffff, v3  }
0x2fb: {  	v48 =	vor.u32 $0x1, v47;
	[tilespmem:v37+s9+$0x0] =	vst.idx.add.f32.msk $0xffff, v3  }
0x2fc: {  	v49 =	vor.u32 $0x7, v47;
	[tilespmem:v46+s9+$0x0] =	vst.idx.add.f32.msk $0xffff, v3  }
0x2fd: {  	v50 =	vor.u32 $0x4, v47;
	[tilespmem:v40+s9+$0x0] =	vst.idx.add.f32.msk $0xffff, v3  }
0x2fe: {  	v51 =	vor.u32 $0x2, v47;
	[tilespmem:v45+s9+$0x0] =	vst.idx.add.f32.msk $0xffff, v3  }
0x2ff: {  	v52 =	vadd.s32 v19, v30;
	v36 =	vld.idx.msk [tilespmem:v47+s8+$0x0], $0xffff  }
0x300: {  	v53 =	vor.u32 $0x6, v47;
	v33 =	vld.idx.msk [tilespmem:v48+s8+$0x0], $0xffff  }
0x301: {  	v35 =	vor.u32 $0x5, v47;
	v40 =	vld.idx.msk [tilespmem:v49+s8+$0x0], $0xffff  }
0x302: {  	v56 =	vadd.s32 v17, v31;
	v54 =	vld.idx.msk [tilespmem:v50+s8+$0x0], $0xffff  }
0x303: {  	v58 =	vor.u32 $0x1, v56;
	v43 =	vld.idx.msk [tilespmem:v51+s8+$0x0], $0xffff  }
0x304: {  	v59 =	vor.u32 $0x7, v56;
	v57 =	vld.idx.msk [tilespmem:v52+s8+$0x0], $0xffff  }
0x305: {  	v61 =	vor.u32 $0x2, v56;
	v39 =	vld.idx.msk [tilespmem:v53+s8+$0x0], $0xffff  }
0x306: {  	v63 =	vadd.s32 v19, v31;
	v60 =	vld.idx.msk [tilespmem:v35+s8+$0x0], $0xffff  }
0x307: {  	v30 =	vor.u32 $0x6800, v2;
	v37 =	vld.idx.msk [tilespmem:v56+s8+$0x0], $0xffff;
	v47 =	vor.u32 $0x5, v56  }
0x308: {  	v31 =	vld.idx.msk [tilespmem:v58+s8+$0x0], $0xffff;
	v55 =	vadd.s32 v30, v36  }
0x309: {  	v35 =	vld.idx.msk [tilespmem:v59+s8+$0x0], $0xffff;
	v62 =	vadd.s32 v30, v54  }
0x30a: {  	v32 =	vld.idx.msk [tilespmem:v61+s8+$0x0], $0xffff;
	v48 =	vadd.s32 v30, v39  }
0x30b: {  	v34 =	vld.idx.msk [tilespmem:v63+s8+$0x0], $0xffff;
	v40 =	vadd.s32 v30, v40  }
0x30c: {  	v41 =	vor.u32 $0x4, v56;
	v39 =	vadd.s32 v30, v33;
	v33 =	vld.idx.msk [tilespmem:v47+s8+$0x0], $0xffff  }
0x30d: {  	v43 =	vadd.s32 v30, v43;
	[tilespmem:v55+s9+$0x0] =	vst.idx.add.f32.msk $0xffff, v3  }
0x30e: {  	v29 =	vadd.s32 $0x8, v29;
	[tilespmem:v62+s9+$0x0] =	vst.idx.add.f32.msk $0xffff, v3  }
0x30f: {  	s13 =	simm.s32 $0x8;
	v42 =	vor.u32 $0x6, v56;
	v36 =	vadd.s32 v30, v57;
	v38 =	vadd.s32 v30, v60;
	[tilespmem:v48+s9+$0x0] =	vst.idx.add.f32.msk $0xffff, v3  }
.LBB2_30:
0x310: {  	v44 =	vshll.u32 v29, $0x3;
	s13 =	sadd.s32 $0x8, s13;
	[tilespmem:v40+s9+$0x0] =	vst.idx.add.f32.msk $0xffff, v3  }
0x311: {  	v40 =	vand.u32 $0x78, v29;
	v44 =	vand.u32 $0xFFFFFC00, v44;
	p0 =	slt.u32 s13, $0xC0;
	v45 =	vld.idx.msk [tilespmem:v41+s8+$0x0], $0xffff  }
0x312: {  	v37 =	vadd.s32 v30, v37;
	v40 =	vor.u32 v40, v44;
	[tilespmem:v43+s9+$0x0] =	vst.idx.add.f32.msk $0xffff, v3  }
0x313: {  	v43 =	vadd.s32 v17, v40;
	[tilespmem:v39+s9+$0x0] =	vst.idx.add.f32.msk $0xffff, v3  }
0x314: {  	v44 =	vor.u32 $0x1, v43;
	v46 =	vor.u32 $0x7, v43;
	v47 =	vld.idx.msk [tilespmem:v42+s8+$0x0], $0xffff  }
0x315: {  	v48 =	vor.u32 $0x2, v43;
	[tilespmem:v36+s9+$0x0] =	vst.idx.add.f32.msk $0xffff, v3  }
0x316: {  	v49 =	vadd.s32 v19, v40;
	v40 =	vadd.s32 v30, v35;
	[tilespmem:v38+s9+$0x0] =	vst.idx.add.f32.msk $0xffff, v3  }
0x317: {  	v41 =	vor.u32 $0x4, v43;
	v45 =	vadd.s32 v30, v45;
	[tilespmem:v37+s9+$0x0] =	vst.idx.add.f32.msk $0xffff, v3  }
0x318: {  	v39 =	vadd.s32 v30, v31;
	v50 =	vor.u32 $0x5, v43;
	v36 =	vadd.s32 v30, v34;
	v37 =	vld.idx.msk [tilespmem:v43+s8+$0x0], $0xffff  }
0x319: {  	v42 =	vor.u32 $0x6, v43;
	v31 =	vld.idx.msk [tilespmem:v44+s8+$0x0], $0xffff  }
0x31a: {  	v38 =	vadd.s32 v30, v33;
	v44 =	vadd.s32 v30, v47;
	v35 =	vld.idx.msk [tilespmem:v46+s8+$0x0], $0xffff  }
.Ltmp14:
0x31b: {  	v43 =	vadd.s32 v30, v32;
	v32 =	vld.idx.msk [tilespmem:v48+s8+$0x0], $0xffff;
	(pc) =	sbr.rel @p0 .LBB2_30-.Ltmp14, $4  }
0x31c: {  	[tilespmem:v45+s9+$0x0] =	vst.idx.add.f32.msk $0xffff, v3  }
0x31d: {  	v34 =	vld.idx.msk [tilespmem:v49+s8+$0x0], $0xffff  }
0x31e: {  	v33 =	vld.idx.msk [tilespmem:v50+s8+$0x0], $0xffff  }
0x31f: {  	v29 =	vadd.s32 $0x8, v29;
	[tilespmem:v44+s9+$0x0] =	vst.idx.add.f32.msk $0xffff, v3  }
0x320: {  	_ =	sdelay $0x3  }
0x321: {  	v29 =	vld.idx.msk [tilespmem:v41+s8+$0x0], $0xffff;
	_ =	sdelay $0x2  }
0x322: {  	v49 =	vld.idx.msk [tilespmem:v42+s8+$0x0], $0xffff  }
0x323: {  	[tilespmem:v40+s9+$0x0] =	vst.idx.add.f32.msk $0xffff, v3;
	v37 =	vadd.s32 v30, v37  }
0x324: {  	[tilespmem:v43+s9+$0x0] =	vst.idx.add.f32.msk $0xffff, v3;
	v29 =	vadd.s32 v30, v29  }
0x325: {  	[tilespmem:v39+s9+$0x0] =	vst.idx.add.f32.msk $0xffff, v3;
	v35 =	vadd.s32 v30, v35  }
0x326: {  	[tilespmem:v36+s9+$0x0] =	vst.idx.add.f32.msk $0xffff, v3;
	v32 =	vadd.s32 v30, v32  }
0x327: {  	[tilespmem:v38+s9+$0x0] =	vst.idx.add.f32.msk $0xffff, v3;
	v51 =	vimm.s32 $0x0;
	v31 =	vadd.s32 v30, v31  }
0x328: {  	v52 =	vshll.u32 v51, $0x3;
	v34 =	vadd.s32 v30, v34;
	[tilespmem:v37+s9+$0x0] =	vst.idx.add.f32.msk $0xffff, v3  }
0x329: {  	v33 =	vadd.s32 v30, v33;
	v37 =	vand.u32 $0xFFFFFC00, v52;
	[tilespmem:v29+s9+$0x0] =	vst.idx.add.f32.msk $0xffff, v3;
	v29 =	vand.u32 $0x78, v51  }
0x32a: {  	v50 =	vadd.s32 v30, v49;
	[tilespmem:v35+s9+$0x0] =	vst.idx.add.f32.msk $0xffff, v3;
	v30 =	vor.u32 v29, v37  }
0x32b: {  	[tilespmem:v32+s9+$0x0] =	vst.idx.add.f32.msk $0xffff, v3;
	v53 =	vadd.s32 v20, v30  }
0x32c: {  	[tilespmem:v31+s9+$0x0] =	vst.idx.add.f32.msk $0xffff, v3;
	v31 =	vor.u32 $0x1, v53  }
0x32d: {  	[tilespmem:v34+s9+$0x0] =	vst.idx.add.f32.msk $0xffff, v3  }
0x32e: {  	[tilespmem:v33+s9+$0x0] =	vst.idx.add.f32.msk $0xffff, v3;
	v57 =	vadd.s32 v22, v30  }
0x32f: {  	[tilespmem:v50+s9+$0x0] =	vst.idx.add.f32.msk $0xffff, v3;
	v55 =	vor.u32 $0x4, v53  }
0x330: {  	v29 =	vadd.s32 $0x8, v51;
	v54 =	vor.u32 $0x7, v53;
	v34 =	vld.idx.msk [tilespmem:v53+s8+$0x0], $0xffff  }
0x331: {  	v56 =	vor.u32 $0x2, v53;
	v40 =	vld.idx.msk [tilespmem:v31+s8+$0x0], $0xffff;
	v31 =	vshll.u32 v29, $0x3  }
0x332: {  	v60 =	vand.u32 $0x78, v29;
	v35 =	vor.u32 $0x6, v53;
	v31 =	vand.u32 $0xFFFFFC00, v31  }
0x333: {  	v58 =	vor.u32 $0x5, v53;
	v38 =	vld.idx.msk [tilespmem:v57+s8+$0x0], $0xffff;
	v31 =	vor.u32 v60, v31  }
0x334: {  	v33 =	vld.idx.msk [tilespmem:v55+s8+$0x0], $0xffff;
	v45 =	vadd.s32 v20, v31  }
0x335: {  	v32 =	vor.u32 $0x7000, v2;
	v59 =	vld.idx.msk [tilespmem:v54+s8+$0x0], $0xffff;
	v48 =	vadd.s32 v22, v31  }
0x336: {  	v46 =	vld.idx.msk [tilespmem:v56+s8+$0x0], $0xffff;
	v34 =	vadd.s32 v32, v34  }
0x337: {  	v35 =	vld.idx.msk [tilespmem:v35+s8+$0x0], $0xffff;
	v61 =	vor.u32 $0x1, v45  }
0x338: {  	v47 =	vld.idx.msk [tilespmem:v58+s8+$0x0], $0xffff;
	v62 =	vor.u32 $0x7, v45  }
0x339: {  	v44 =	vadd.s32 v32, v33;
	v39 =	vld.idx.msk [tilespmem:v45+s8+$0x0], $0xffff  }
0x33a: {  	v63 =	vor.u32 $0x2, v45;
	v37 =	vld.idx.msk [tilespmem:v48+s8+$0x0], $0xffff  }
0x33b: {  	v49 =	vor.u32 $0x5, v45;
	[tilespmem:v34+s9+$0x0] =	vst.idx.add.f32.msk $0xffff, v3  }
0x33c: {  	v50 =	vadd.s32 v32, v35;
	v33 =	vld.idx.msk [tilespmem:v61+s8+$0x0], $0xffff  }
0x33d: {  	v43 =	vadd.s32 v32, v59;
	v36 =	vld.idx.msk [tilespmem:v62+s8+$0x0], $0xffff  }
0x33e: {  	[tilespmem:v44+s9+$0x0] =	vst.idx.add.f32.msk $0xffff, v3;
	v44 =	vor.u32 $0x4, v45  }
0x33f: {  	v46 =	vadd.s32 v32, v46;
	v34 =	vld.idx.msk [tilespmem:v63+s8+$0x0], $0xffff  }
0x340: {  	v38 =	vadd.s32 v32, v38;
	v42 =	vadd.s32 v32, v40;
	v35 =	vld.idx.msk [tilespmem:v49+s8+$0x0], $0xffff  }
0x341: {  	s13 =	simm.s32 $0x8;
	v41 =	vadd.s32 v32, v47;
	v40 =	vadd.s32 $0x8, v29;
	v45 =	vor.u32 $0x6, v45;
	[tilespmem:v50+s9+$0x0] =	vst.idx.add.f32.msk $0xffff, v3  }
.LBB2_32:
0x342: {  	v47 =	vshll.u32 v40, $0x3;
	s13 =	sadd.s32 $0x8, s13;
	[tilespmem:v43+s9+$0x0] =	vst.idx.add.f32.msk $0xffff, v3  }
0x343: {  	v43 =	vand.u32 $0x78, v40;
	v47 =	vand.u32 $0xFFFFFC00, v47;
	p0 =	slt.u32 s13, $0xC0;
	v48 =	vld.idx.msk [tilespmem:v44+s8+$0x0], $0xffff  }
0x344: {  	v39 =	vadd.s32 v32, v39;
	v43 =	vor.u32 v43, v47;
	[tilespmem:v46+s9+$0x0] =	vst.idx.add.f32.msk $0xffff, v3  }
0x345: {  	v46 =	vadd.s32 v20, v43;
	[tilespmem:v42+s9+$0x0] =	vst.idx.add.f32.msk $0xffff, v3  }
0x346: {  	v47 =	vor.u32 $0x1, v46;
	v49 =	vor.u32 $0x7, v46;
	v50 =	vld.idx.msk [tilespmem:v45+s8+$0x0], $0xffff  }
0x347: {  	v51 =	vor.u32 $0x2, v46;
	[tilespmem:v38+s9+$0x0] =	vst.idx.add.f32.msk $0xffff, v3  }
0x348: {  	v52 =	vadd.s32 v22, v43;
	v43 =	vadd.s32 v32, v36;
	[tilespmem:v41+s9+$0x0] =	vst.idx.add.f32.msk $0xffff, v3  }
0x349: {  	v44 =	vor.u32 $0x4, v46;
	v48 =	vadd.s32 v32, v48;
	[tilespmem:v39+s9+$0x0] =	vst.idx.add.f32.msk $0xffff, v3  }
0x34a: {  	v42 =	vadd.s32 v32, v33;
	v53 =	vor.u32 $0x5, v46;
	v38 =	vadd.s32 v32, v37;
	v39 =	vld.idx.msk [tilespmem:v46+s8+$0x0], $0xffff  }
0x34b: {  	v45 =	vor.u32 $0x6, v46;
	v33 =	vld.idx.msk [tilespmem:v47+s8+$0x0], $0xffff  }
0x34c: {  	v41 =	vadd.s32 v32, v35;
	v47 =	vadd.s32 v32, v50;
	v36 =	vld.idx.msk [tilespmem:v49+s8+$0x0], $0xffff  }
.Ltmp15:
0x34d: {  	v46 =	vadd.s32 v32, v34;
	v34 =	vld.idx.msk [tilespmem:v51+s8+$0x0], $0xffff;
	(pc) =	sbr.rel @p0 .LBB2_32-.Ltmp15, $4  }
0x34e: {  	[tilespmem:v48+s9+$0x0] =	vst.idx.add.f32.msk $0xffff, v3  }
0x34f: {  	v37 =	vld.idx.msk [tilespmem:v52+s8+$0x0], $0xffff  }
0x350: {  	v35 =	vld.idx.msk [tilespmem:v53+s8+$0x0], $0xffff  }
0x351: {  	v40 =	vadd.s32 $0x8, v40;
	[tilespmem:v47+s9+$0x0] =	vst.idx.add.f32.msk $0xffff, v3  }
0x352: {  	_ =	sdelay $0x3  }
0x353: {  	v40 =	vld.idx.msk [tilespmem:v44+s8+$0x0], $0xffff  }
0x354: {  	v63 =	vld.idx.msk [tilespmem:v45+s8+$0x0], $0xffff  }
0x355: {  	[tilespmem:v43+s9+$0x0] =	vst.idx.add.f32.msk $0xffff, v3;
	v39 =	vadd.s32 v32, v39  }
0x356: {  	[tilespmem:v46+s9+$0x0] =	vst.idx.add.f32.msk $0xffff, v3;
	v36 =	vadd.s32 v32, v36  }
0x357: {  	[tilespmem:v42+s9+$0x0] =	vst.idx.add.f32.msk $0xffff, v3;
	v34 =	vadd.s32 v32, v34  }
0x358: {  	[tilespmem:v38+s9+$0x0] =	vst.idx.add.f32.msk $0xffff, v3;
	v33 =	vadd.s32 v32, v33  }
0x359: {  	[tilespmem:v41+s9+$0x0] =	vst.idx.add.f32.msk $0xffff, v3;
	v37 =	vadd.s32 v32, v37  }
0x35a: {  	v46 =	vadd.s32 v32, v35;
	[tilespmem:v39+s9+$0x0] =	vst.idx.add.f32.msk $0xffff, v3  }
0x35b: {  	v40 =	vadd.s32 v32, v40;
	[tilespmem:v36+s9+$0x0] =	vst.idx.add.f32.msk $0xffff, v3  }
0x35c: {  	v45 =	vadd.s32 v32, v63;
	[tilespmem:v34+s9+$0x0] =	vst.idx.add.f32.msk $0xffff, v3  }
0x35d: {  	v47 =	vadd.s32 v23, v30;
	[tilespmem:v33+s9+$0x0] =	vst.idx.add.f32.msk $0xffff, v3  }
0x35e: {  	v48 =	vor.u32 $0x1, v47;
	[tilespmem:v37+s9+$0x0] =	vst.idx.add.f32.msk $0xffff, v3  }
0x35f: {  	v49 =	vor.u32 $0x7, v47;
	[tilespmem:v46+s9+$0x0] =	vst.idx.add.f32.msk $0xffff, v3  }
0x360: {  	v50 =	vor.u32 $0x4, v47;
	[tilespmem:v40+s9+$0x0] =	vst.idx.add.f32.msk $0xffff, v3  }
0x361: {  	v51 =	vor.u32 $0x2, v47;
	[tilespmem:v45+s9+$0x0] =	vst.idx.add.f32.msk $0xffff, v3  }
0x362: {  	v52 =	vadd.s32 v25, v30;
	v36 =	vld.idx.msk [tilespmem:v47+s8+$0x0], $0xffff  }
0x363: {  	v53 =	vor.u32 $0x6, v47;
	v33 =	vld.idx.msk [tilespmem:v48+s8+$0x0], $0xffff  }
0x364: {  	v35 =	vor.u32 $0x5, v47;
	v40 =	vld.idx.msk [tilespmem:v49+s8+$0x0], $0xffff  }
0x365: {  	v56 =	vadd.s32 v23, v31;
	v54 =	vld.idx.msk [tilespmem:v50+s8+$0x0], $0xffff  }
0x366: {  	v58 =	vor.u32 $0x1, v56;
	v43 =	vld.idx.msk [tilespmem:v51+s8+$0x0], $0xffff  }
0x367: {  	v59 =	vor.u32 $0x7, v56;
	v57 =	vld.idx.msk [tilespmem:v52+s8+$0x0], $0xffff  }
0x368: {  	v61 =	vor.u32 $0x2, v56;
	v39 =	vld.idx.msk [tilespmem:v53+s8+$0x0], $0xffff  }
0x369: {  	v63 =	vadd.s32 v25, v31;
	v60 =	vld.idx.msk [tilespmem:v35+s8+$0x0], $0xffff  }
0x36a: {  	v30 =	vor.u32 $0x7800, v2;
	v37 =	vld.idx.msk [tilespmem:v56+s8+$0x0], $0xffff;
	v47 =	vor.u32 $0x5, v56  }
0x36b: {  	v31 =	vld.idx.msk [tilespmem:v58+s8+$0x0], $0xffff;
	v55 =	vadd.s32 v30, v36  }
0x36c: {  	v34 =	vld.idx.msk [tilespmem:v59+s8+$0x0], $0xffff;
	v62 =	vadd.s32 v30, v54  }
0x36d: {  	v32 =	vld.idx.msk [tilespmem:v61+s8+$0x0], $0xffff;
	v48 =	vadd.s32 v30, v39  }
0x36e: {  	v35 =	vld.idx.msk [tilespmem:v63+s8+$0x0], $0xffff;
	v40 =	vadd.s32 v30, v40  }
0x36f: {  	v41 =	vor.u32 $0x4, v56;
	v39 =	vadd.s32 v30, v33;
	v33 =	vld.idx.msk [tilespmem:v47+s8+$0x0], $0xffff  }
0x370: {  	v43 =	vadd.s32 v30, v43;
	[tilespmem:v55+s9+$0x0] =	vst.idx.add.f32.msk $0xffff, v3  }
0x371: {  	v29 =	vadd.s32 $0x8, v29;
	[tilespmem:v62+s9+$0x0] =	vst.idx.add.f32.msk $0xffff, v3  }
0x372: {  	s13 =	simm.s32 $0x8;
	v42 =	vor.u32 $0x6, v56;
	v36 =	vadd.s32 v30, v57;
	v38 =	vadd.s32 v30, v60;
	[tilespmem:v48+s9+$0x0] =	vst.idx.add.f32.msk $0xffff, v3  }
.LBB2_34:
0x373: {  	v44 =	vshll.u32 v29, $0x3;
	s13 =	sadd.s32 $0x8, s13;
	[tilespmem:v40+s9+$0x0] =	vst.idx.add.f32.msk $0xffff, v3  }
0x374: {  	v40 =	vand.u32 $0x78, v29;
	v44 =	vand.u32 $0xFFFFFC00, v44;
	p0 =	slt.u32 s13, $0xC0;
	v45 =	vld.idx.msk [tilespmem:v41+s8+$0x0], $0xffff  }
0x375: {  	v37 =	vadd.s32 v30, v37;
	v40 =	vor.u32 v40, v44;
	[tilespmem:v43+s9+$0x0] =	vst.idx.add.f32.msk $0xffff, v3  }
0x376: {  	v43 =	vadd.s32 v23, v40;
	[tilespmem:v39+s9+$0x0] =	vst.idx.add.f32.msk $0xffff, v3  }
0x377: {  	v44 =	vor.u32 $0x1, v43;
	v46 =	vor.u32 $0x7, v43;
	v47 =	vld.idx.msk [tilespmem:v42+s8+$0x0], $0xffff  }
0x378: {  	v48 =	vor.u32 $0x2, v43;
	[tilespmem:v36+s9+$0x0] =	vst.idx.add.f32.msk $0xffff, v3  }
0x379: {  	v49 =	vadd.s32 v25, v40;
	v40 =	vadd.s32 v30, v34;
	[tilespmem:v38+s9+$0x0] =	vst.idx.add.f32.msk $0xffff, v3  }
0x37a: {  	v41 =	vor.u32 $0x4, v43;
	v45 =	vadd.s32 v30, v45;
	[tilespmem:v37+s9+$0x0] =	vst.idx.add.f32.msk $0xffff, v3  }
0x37b: {  	v39 =	vadd.s32 v30, v31;
	v50 =	vor.u32 $0x5, v43;
	v36 =	vadd.s32 v30, v35;
	v37 =	vld.idx.msk [tilespmem:v43+s8+$0x0], $0xffff  }
0x37c: {  	v42 =	vor.u32 $0x6, v43;
	v31 =	vld.idx.msk [tilespmem:v44+s8+$0x0], $0xffff  }
0x37d: {  	v38 =	vadd.s32 v30, v33;
	v44 =	vadd.s32 v30, v47;
	v34 =	vld.idx.msk [tilespmem:v46+s8+$0x0], $0xffff  }
.Ltmp16:
0x37e: {  	v43 =	vadd.s32 v30, v32;
	v32 =	vld.idx.msk [tilespmem:v48+s8+$0x0], $0xffff;
	(pc) =	sbr.rel @p0 .LBB2_34-.Ltmp16, $4  }
0x37f: {  	[tilespmem:v45+s9+$0x0] =	vst.idx.add.f32.msk $0xffff, v3  }
0x380: {  	v35 =	vld.idx.msk [tilespmem:v49+s8+$0x0], $0xffff  }
0x381: {  	v33 =	vld.idx.msk [tilespmem:v50+s8+$0x0], $0xffff  }
0x382: {  	v29 =	vadd.s32 $0x8, v29;
	[tilespmem:v44+s9+$0x0] =	vst.idx.add.f32.msk $0xffff, v3  }
0x383: {  	_ =	sdelay $0x3  }
0x384: {  	v29 =	vld.idx.msk [tilespmem:v41+s8+$0x0], $0xffff;
	_ =	sdelay $0x1  }
0x385: {  	v62 =	vld.idx.msk [tilespmem:v42+s8+$0x0], $0xffff  }
0x386: {  	[tilespmem:v40+s9+$0x0] =	vst.idx.add.f32.msk $0xffff, v3;
	v37 =	vadd.s32 v30, v37  }
0x387: {  	[tilespmem:v43+s9+$0x0] =	vst.idx.add.f32.msk $0xffff, v3;
	v34 =	vadd.s32 v30, v34  }
0x388: {  	[tilespmem:v39+s9+$0x0] =	vst.idx.add.f32.msk $0xffff, v3;
	v29 =	vadd.s32 v30, v29  }
0x389: {  	[tilespmem:v36+s9+$0x0] =	vst.idx.add.f32.msk $0xffff, v3;
	v32 =	vadd.s32 v30, v32  }
0x38a: {  	[tilespmem:v38+s9+$0x0] =	vst.idx.add.f32.msk $0xffff, v3;
	v31 =	vadd.s32 v30, v31  }
0x38b: {  	v35 =	vadd.s32 v30, v35;
	[tilespmem:v37+s9+$0x0] =	vst.idx.add.f32.msk $0xffff, v3  }
0x38c: {  	v63 =	vadd.s32 v30, v62;
	[tilespmem:v34+s9+$0x0] =	vst.idx.add.f32.msk $0xffff, v3  }
0x38d: {  	[tilespmem:v29+s9+$0x0] =	vst.idx.add.f32.msk $0xffff, v3;
	v29 =	vadd.s32 v30, v33  }
0x38e: {  	[tilespmem:v32+s9+$0x0] =	vst.idx.add.f32.msk $0xffff, v3  }
0x38f: {  	[tilespmem:v31+s9+$0x0] =	vst.idx.add.f32.msk $0xffff, v3  }
0x390: {  	s12 =	sadd.s32 $0x1, s12;
	[tilespmem:v35+s9+$0x0] =	vst.idx.add.f32.msk $0xffff, v3  }
0x391: {  	p0 =	sne.s32 s12, s6;
	[tilespmem:v63+s9+$0x0] =	vst.idx.add.f32.msk $0xffff, v3  }
.Ltmp17:
0x392: {  	[tilespmem:v29+s9+$0x0] =	vst.idx.add.f32.msk $0xffff, v3;
	(pc) =	sbr.rel @p0 .LBB2_1-.Ltmp17, $4  }
0x393: {  	[hbm4b:s5+s2] =	stream.linear.scatter [tilespmem:s9], [sflag:$0x3], $0x8000, $0x38;
	[tilespmem:$0x18000] =	vst v63  }
0x394: {  	_ =	swait.ge [sflag:s11], $0x8000  }
0x395: {  	[sflag:s11] =	ssyncset.done $0x0  }
0x396: {  	[sflag:s11] =	ssyncadd.s32 $0xFFFF8000  }
0x397: {  	_ =	sfence.sel $0x180000  }
0x398: {  	[bflag:$0x0] =	sbarrier.arrive $0xFFFF  }
0x399: {  	p0 =	sne.s32 s1, $0x0;
	_ =	strace $0x90000047  }
0x39a: {  	s0 =	sadd.s32 @!p0 $0x100000, s0;
	[bflag:$0x2] =	sbarrier.arrive $0xFFFF  }
0x39b: {  	[sflag:s0] =	ssyncadd.tile.s32 @!p0 $0x1;
	_ =	shalt  }
.Lfunc_end2:
_tile_overlayer_lowered:
.L_overlay_start_2:
0x39c: {  	(tag) =	ssettag $0x2  }
0x39d: {  	s0 =	rddreg [dreg:$0x0];
	s2 =	stileid.u32  }
0x39e: {  	s1 =	rddreg [dreg:$0x1];
	p0 =	sne.s32 s2, $0x0  }
0x39f: {  	s3 =	rddreg [dreg:$0x2];
	[bflag:$0x3] =	sbarrier.arrive $0xFFFF;
	s2 =	simm.s32 @!p0 $0x1C03  }
0x3a0: {  	[timem:s3], [sflag:s2] =	dma.local @!p0 [hbm:s0], s1  }
0x3a1: {  	s0 =	simm.s32 @!p0 $0x3  }
0x3a2: {  	_ =	swait.ge @!p0 [sflag:s0], s1  }
0x3a3: {  	s1 =	ssub.s32 @!p0 $0x0, s1;
	[sflag:s0] =	ssyncset.done @!p0 $0x0  }
0x3a4: {  	[sflag:s0] =	ssyncadd.s32 @!p0 s1  }
0x3a5: {  	[bflag:$0x3] =	sbarrier.arrive $0xFFFF  }
0x3a6: {  	_ =	shalt  }

</sc_bundles>
